<compile_context>
chip_gen: v7x
topology: tpu7x:2x2x1
jax: 0.10.2.dev20260603
libtpu: 0.0.44.dev20260713+nightly
codegen_flags: <defaults>
</compile_context>

<pallas_src>
import jax
import jax.numpy as jnp
from jax import lax
from jax.experimental import pallas as pl
from jax.experimental.pallas import tpu as pltpu
from jax.experimental.pallas import tpu_sc as plsc

T, N, D, H, G, OUT = 4, 10000, 128, 128, 16, 128
NC, NS = 2, 16
NW = NC * NS
CH = 128
N_PAD = 10240
TRASH = N
ZROWS = N_PAD // NS


def _front_body(x_ref, wnt_ref, bnt_ref, wat_ref, bat_ref, h_ref, aw_ref):
    x = x_ref[...]
    wnt = wnt_ref[...]
    wat = wat_ref[...]
    bnt = bnt_ref[...]
    bat = bat_ref[...]
    ats = []
    for t in range(T):
        ht = jnp.dot(x[t], wnt, preferred_element_type=jnp.float32) + bnt
        h_ref[t] = ht
        ats.append(jnp.dot(ht, wat, preferred_element_type=jnp.float32) + bat)
    for i in range(T - 1):
        sc = ats[i] * ats[i + 1]
        m = jnp.max(sc, axis=-1, keepdims=True)
        e = jnp.exp(sc - m)
        aw_ref[i] = e / jnp.sum(e, axis=-1, keepdims=True)


def _tc_front(x, w_nt, b_nt, w_attn, b_attn):
    nb = 400
    grid = (N // nb,)
    return pl.pallas_call(
        _front_body,
        grid=grid,
        in_specs=[
            pl.BlockSpec((T, nb, D), lambda n: (0, n, 0)),
            pl.BlockSpec((D, H), lambda n: (0, 0)),
            pl.BlockSpec((1, H), lambda n: (0, 0)),
            pl.BlockSpec((H, H), lambda n: (0, 0)),
            pl.BlockSpec((1, H), lambda n: (0, 0)),
        ],
        out_specs=[
            pl.BlockSpec((T, nb, H), lambda n: (0, n, 0)),
            pl.BlockSpec((T - 1, nb, H), lambda n: (0, n, 0)),
        ],
        out_shape=[
            jax.ShapeDtypeStruct((T, N, H), jnp.float32),
            jax.ShapeDtypeStruct((T - 1, N, H), jnp.float32),
        ],
    )(x, w_nt, b_nt.reshape(1, H), w_attn, b_attn.reshape(1, H))


def _seg_body(aw_ref, dst_ref, src_ref, zeros_ref, parts_ref,
              idx_dst, idx_src, rows, acc, sem):
    c = lax.axis_index("c")
    s = lax.axis_index("s")
    wid = s * NC + c
    e_pad = dst_ref.shape[0] // (T - 1)
    chunks_per_worker = e_pad // CH // NW

    for i in range(T - 1):
        pltpu.sync_copy(zeros_ref, acc.at[pl.ds(s * ZROWS, ZROWS)])
        plsc.subcore_barrier()

        def chunk_step(k, carry):
            base = (wid * chunks_per_worker + k) * CH
            pltpu.sync_copy(dst_ref.at[pl.ds(i * e_pad + base, CH)], idx_dst)
            pltpu.sync_copy(src_ref.at[pl.ds(base, CH)], idx_src)
            pltpu.async_copy(aw_ref.at[idx_dst], rows, sem).wait()
            pltpu.sync_copy(rows, acc.at[idx_src], add=True)
            return carry

        lax.fori_loop(0, chunks_per_worker, chunk_step, None)
        plsc.subcore_barrier()
        pltpu.sync_copy(acc.at[pl.ds(s * ZROWS, ZROWS)],
                        parts_ref.at[c, i, pl.ds(s * ZROWS, ZROWS)])
        plsc.subcore_barrier()


def _sc_segsum(aw_flat, dst1d, src1d, zeros):
    mesh = plsc.VectorSubcoreMesh(
        core_axis_name="c", subcore_axis_name="s", num_cores=NC,
        num_subcores=NS)
    return pl.kernel(
        _seg_body,
        out_type=jax.ShapeDtypeStruct((NC, T - 1, N_PAD, H), jnp.float32),
        mesh=mesh,
        scratch_types=[
            pltpu.VMEM((CH,), jnp.int32),
            pltpu.VMEM((CH,), jnp.int32),
            pltpu.VMEM((CH, H), jnp.float32),
            pltpu.VMEM_SHARED((N_PAD, H), jnp.float32),
            pltpu.SemaphoreType.DMA,
        ],
    )(aw_flat, dst1d, src1d, zeros)


def _back_body(h_ref, parts_ref, bidx_ref, wsda_ref, wsdb_ref, bsd_ref,
               wg1_ref, bg1_ref, wg2_ref, bg2_ref, wm1_ref, bm1_ref,
               wm2_ref, bm2_ref, out_ref, acc):
    n = pl.program_id(0)
    nsteps = pl.num_programs(0)

    @pl.when(n == 0)
    def _():
        acc[...] = jnp.zeros_like(acc)

    h = h_ref[...]
    segs = parts_ref[0] + parts_ref[1]
    bsd = bsd_ref[...]
    tot = None
    for i in range(T - 1):
        w = (h[i + 1] - h[i]) * segs[i]
        e = jax.nn.relu(
            jnp.dot(h[i], wsda_ref[...], preferred_element_type=jnp.float32)
            + jnp.dot(w, wsdb_ref[...], preferred_element_type=jnp.float32)
            + bsd)
        tot = e if tot is None else tot + e
    prop = tot * (1.0 / (T - 1))
    g1 = jax.nn.relu(
        jnp.dot(prop, wg1_ref[...], preferred_element_type=jnp.float32)
        + bg1_ref[...])
    gate = jax.nn.sigmoid(
        jnp.sum(g1 * wg2_ref[...], axis=-1, keepdims=True) + bg2_ref[0, 0])
    gp = gate * prop
    bidx = bidx_ref[0, 0]
    mask = (lax.broadcasted_iota(jnp.int32, (G, gp.shape[0]), 0)
            == bidx[None, :]).astype(jnp.float32)
    acc[...] += jnp.dot(mask, gp, preferred_element_type=jnp.float32)

    @pl.when(n == nsteps - 1)
    def _():
        ge = acc[...]
        o = jax.nn.relu(
            jnp.dot(ge, wm1_ref[...], preferred_element_type=jnp.float32)
            + bm1_ref[...])
        out_ref[...] = (
            jnp.dot(o, wm2_ref[...], preferred_element_type=jnp.float32)
            + bm2_ref[...])


def _tc_back(h, parts, bidx3, w_sd, b_sd, w_g1, b_g1, w_g2, b_g2,
             w_m1, b_m1, w_m2, b_m2):
    nb = 400
    nblk = N // nb
    return pl.pallas_call(
        _back_body,
        grid=(nblk,),
        in_specs=[
            pl.BlockSpec((T, nb, H), lambda n: (0, n, 0)),
            pl.BlockSpec((NC, T - 1, nb, H), lambda n: (0, 0, n, 0)),
            pl.BlockSpec((1, 1, nb), lambda n: (n, 0, 0)),
            pl.BlockSpec((H, H), lambda n: (0, 0)),
            pl.BlockSpec((H, H), lambda n: (0, 0)),
            pl.BlockSpec((1, H), lambda n: (0, 0)),
            pl.BlockSpec((H, H), lambda n: (0, 0)),
            pl.BlockSpec((1, H), lambda n: (0, 0)),
            pl.BlockSpec((1, H), lambda n: (0, 0)),
            pl.BlockSpec((1, 1), lambda n: (0, 0)),
            pl.BlockSpec((H, H), lambda n: (0, 0)),
            pl.BlockSpec((1, H), lambda n: (0, 0)),
            pl.BlockSpec((H, OUT), lambda n: (0, 0)),
            pl.BlockSpec((1, OUT), lambda n: (0, 0)),
        ],
        out_specs=pl.BlockSpec((G, OUT), lambda n: (0, 0)),
        out_shape=jax.ShapeDtypeStruct((G, OUT), jnp.float32),
        scratch_shapes=[pltpu.VMEM((G, H), jnp.float32)],
    )(h, parts, bidx3, w_sd[:H], w_sd[H:], b_sd.reshape(1, H),
      w_g1, b_g1.reshape(1, H), w_g2.reshape(1, H), b_g2.reshape(1, 1),
      w_m1, b_m1.reshape(1, H), w_m2, b_m2.reshape(1, OUT))


def kernel(x, edge_index, batch_idx, W_nt, b_nt, W_attn, b_attn, W_sd, b_sd,
           W_g1, b_g1, W_g2, b_g2, W_m1, b_m1, W_m2, b_m2):
    src = edge_index[0].astype(jnp.int32)
    dst = edge_index[1].astype(jnp.int32)
    e = src.shape[0]
    grp = NW * CH
    e_pad = ((e + grp - 1) // grp) * grp
    src_pad = jnp.concatenate(
        [src, jnp.full((e_pad - e,), TRASH, jnp.int32)])
    dst_pad = jnp.concatenate([dst, jnp.zeros((e_pad - e,), jnp.int32)])
    dst_all = (dst_pad[None, :]
               + (jnp.arange(T - 1, dtype=jnp.int32) * N)[:, None])
    dst1d = dst_all.reshape(-1)
    zeros = jnp.zeros((ZROWS, H), jnp.float32)

    h, aw = _tc_front(x, W_nt, b_nt, W_attn, b_attn)
    parts = _sc_segsum(aw.reshape((T - 1) * N, H), dst1d, src_pad, zeros)
    return _tc_back(h, parts, batch_idx.astype(jnp.int32).reshape(N // 400, 1, 400),
                    W_sd, b_sd, W_g1, b_g1, W_g2, b_g2, W_m1, b_m1, W_m2, b_m2)

# --- scband reference (transcript-rebuilt; emitter-appended) ---
"""Pipeline reference for scband-cross-snapshot-attention-layer-87668872446567 (READ-ONLY COPY).

The authoritative reference and input builder live on the scoring server;
editing this copy changes nothing except your own understanding.
"""

import jax, jax.numpy as jnp
import numpy as np

T, N, E, D, H, OUT, G = 4, 10000, 320000, 128, 128, 128, 16

def setup_inputs(seed: int = 0) -> dict:
    key = jax.random.key(seed)
    ks = jax.random.split(key, 16)
    x = jax.random.normal(ks[0], (T, N, D), dtype=jnp.float32)
    edge_index = jax.random.randint(ks[1], (2, E), 0, N, dtype=jnp.int64)
    batch_idx = jnp.sort(jax.random.randint(ks[2], (N,), 0, G, dtype=jnp.int64))
    s = 1.0 / np.sqrt(H)
    W_nt = jax.random.normal(ks[3], (D, H), dtype=jnp.float32) * s
    b_nt = jnp.zeros((H,), dtype=jnp.float32)
    W_attn = jax.random.normal(ks[4], (H, H), dtype=jnp.float32) * s
    b_attn = jnp.zeros((H,), dtype=jnp.float32)
    W_sd = jax.random.normal(ks[5], (2 * H, H), dtype=jnp.float32) * (1.0 / np.sqrt(2 * H))
    b_sd = jnp.zeros((H,), dtype=jnp.float32)
    W_g1 = jax.random.normal(ks[6], (H, H), dtype=jnp.float32) * s
    b_g1 = jnp.zeros((H,), dtype=jnp.float32)
    W_g2 = jax.random.normal(ks[7], (H, 1), dtype=jnp.float32) * s
    b_g2 = jnp.zeros((1,), dtype=jnp.float32)
    W_m1 = jax.random.normal(ks[8], (H, H), dtype=jnp.float32) * s
    b_m1 = jnp.zeros((H,), dtype=jnp.float32)
    W_m2 = jax.random.normal(ks[9], (H, OUT), dtype=jnp.float32) * s
    b_m2 = jnp.zeros((OUT,), dtype=jnp.float32)
    return {"x": x, "edge_index": edge_index, "batch_idx": batch_idx,
            "W_nt": W_nt, "b_nt": b_nt, "W_attn": W_attn, "b_attn": b_attn,
            "W_sd": W_sd, "b_sd": b_sd, "W_g1": W_g1, "b_g1": b_g1,
            "W_g2": W_g2, "b_g2": b_g2, "W_m1": W_m1, "b_m1": b_m1,
            "W_m2": W_m2, "b_m2": b_m2}

def reference(x, edge_index, batch_idx, W_nt, b_nt, W_attn, b_attn, W_sd, b_sd,
              W_g1, b_g1, W_g2, b_g2, W_m1, b_m1, W_m2, b_m2):
    # node_transform per snapshot
    h = x @ W_nt + b_nt  # [T, N, H]
    src = edge_index[0]
    dst = edge_index[1]
    snapshot_embeddings = []
    for i in range(T - 1):
        hx = h[i]
        hy = h[i + 1]
        snapshot_differences = hy - hx
        # MultiHeadAttention with num_heads=1 -> single linear, mean over 1 head
        queries = hy @ W_attn + b_attn
        keys = hx @ W_attn + b_attn
        attention_scores = keys * queries
        attention_weights = jax.nn.softmax(attention_scores, axis=1)
        # sparse.mm(A, W): row src accumulates W[dst] over edges (A[src,dst]=1)
        attention_weights = jax.ops.segment_sum(attention_weights[dst], src, num_segments=N)
        weighted = snapshot_differences * attention_weights
        emb = jax.nn.relu(jnp.concatenate([hx, weighted], axis=-1) @ W_sd + b_sd)
        snapshot_embeddings.append(emb)
    # propagation aggregator: MEAN over snapshot deltas
    prop = jnp.mean(jnp.stack(snapshot_embeddings, axis=0), axis=0)  # [N, H]
    # node embedding aggregator: GATE
    gate = jax.nn.sigmoid(jax.nn.relu(prop @ W_g1 + b_g1) @ W_g2 + b_g2)  # [N, 1]
    graph_embedding = jax.ops.segment_sum(gate * prop, batch_idx, num_segments=G)  # [G, H]
    out = jax.nn.relu(graph_embedding @ W_m1 + b_m1) @ W_m2 + b_m2  # [G, OUT]
    return out

if __name__ == "__main__":
    import jax
    _d = setup_inputs()
    print(jax.jit(kernel)(*tuple(_d.values())))

</pallas_src>

<mosaic_0001>
#map = affine_map<(d0, d1) -> (0, 0)>
#map1 = affine_map<(d0, d1) -> (0)>
#map2 = affine_map<(d0, d1) -> (0, 0, 0, 0)>
module attributes {stable_mosaic.version = 14 : i64} {
  func.func @_seg_body(%arg0: i32, %arg1: i32, %arg2: memref<30000x128xf32, #tpu.memory_space<hbm>>, %arg3: memref<970752xi32, #tpu.memory_space<hbm>>, %arg4: memref<323584xi32, #tpu.memory_space<hbm>>, %arg5: memref<640x128xf32, #tpu.memory_space<hbm>>, %arg6: memref<2x3x10240x128xf32, #tpu.memory_space<hbm>>, %arg7: memref<128xi32, #tpu.memory_space<vmem>>, %arg8: memref<128xi32, #tpu.memory_space<vmem>>, %arg9: memref<128x128xf32, #tpu.memory_space<vmem>>, %arg10: memref<10240x128xf32, #tpu.memory_space<vmem_shared>>, %arg11: memref<!tpu.dma_semaphore, #tpu.memory_space<semaphore_mem>>) attributes {dimension_semantics = [#tpu.dimension_semantics<core_parallel>, #tpu.dimension_semantics<subcore_parallel>], iteration_bounds = array<i64: 2, 16>, scalar_prefetch = 0 : i64, scratch_operands = 5 : i64, tpu.core_type = #tpu.core_type<sc_vector_subcore>, window_params = [{transform_indices = #map}, {transform_indices = #map1}, {transform_indices = #map1}, {transform_indices = #map}, {transform_indices = #map2}]} {
    %mul3A = arith.constant 2 : i32
    %mul3A_0 = arith.muli %arg1, %mul3A : i32
    %add3A = arith.addi %mul3A_0, %arg0 : i32
    %mul3A_1 = arith.constant 640 : i32
    %mul3A_2 = arith.muli %arg1, %mul3A_1 : i32
    "tpu.region"() ({
      %run_scoped3A_43 = tpu.sem_alloc : memref<!tpu.dma_semaphore, #tpu.memory_space<semaphore_mem>>
      %dma_start3A = arith.constant 0 : i32
      %dma_start3A_44 = tpu.memref_slice %arg10[%mul3A_2, %dma_start3A] : memref<10240x128xf32, #tpu.memory_space<vmem_shared>> -> memref<640x128xf32, #tpu.memory_space<vmem_shared>>
      tpu.enqueue_dma source(%arg5 : memref<640x128xf32, #tpu.memory_space<hbm>>) target(%dma_start3A_44 : memref<640x128xf32, #tpu.memory_space<vmem_shared>>) target_semaphore(%run_scoped3A_43 : memref<!tpu.dma_semaphore, #tpu.memory_space<semaphore_mem>>)
      %dma_wait3A = arith.constant 0 : i32
      %dma_wait3A_45 = tpu.memref_slice %arg10[%mul3A_2, %dma_wait3A] : memref<10240x128xf32, #tpu.memory_space<vmem_shared>> -> memref<640x128xf32, #tpu.memory_space<vmem_shared>>
      tpu.wait_dma2 semaphore(%run_scoped3A_43 : memref<!tpu.dma_semaphore, #tpu.memory_space<semaphore_mem>>) src(%arg5 : memref<640x128xf32, #tpu.memory_space<hbm>>) dst(%dma_wait3A_45 : memref<640x128xf32, #tpu.memory_space<vmem_shared>>)
      tpu.yield
    }) : () -> ()
    %barrier3A = arith.constant 0 : index
    tpu.barrier barrier_id(%barrier3A)
    %scan3A = arith.constant 0 : i32
    %scan3A_3 = arith.constant 79 : i32
    %scan3A_4 = arith.addi %scan3A, %scan3A_3 : i32
    %scan3A_5 = arith.constant 1 : i32
    scf.for %scan3A_43 = %scan3A to %scan3A_4 step %scan3A_5  : i32 {
      %mul3A_44 = arith.constant 79 : i32
      %mul3A_45 = arith.muli %add3A, %mul3A_44 : i32
      %add3A_46 = arith.addi %mul3A_45, %scan3A_43 : i32
      %mul3A_47 = arith.constant 128 : i32
      %mul3A_48 = arith.muli %add3A_46, %mul3A_47 : i32
      %add3A_49 = arith.constant 0 : i32
      %add3A_50 = arith.addi %add3A_49, %mul3A_48 : i32
      "tpu.region"() ({
        %run_scoped3A_55 = tpu.sem_alloc : memref<!tpu.dma_semaphore, #tpu.memory_space<semaphore_mem>>
        %dma_start3A_56 = tpu.memref_slice %arg3[%add3A_50] : memref<970752xi32, #tpu.memory_space<hbm>> -> memref<128xi32, #tpu.memory_space<hbm>>
        %dma_start3A_57 = tpu.memref_slice %arg3[%add3A_50] : memref<970752xi32, #tpu.memory_space<hbm>> -> memref<128xi32, #tpu.memory_space<hbm>>
        tpu.enqueue_dma source(%dma_start3A_57 : memref<128xi32, #tpu.memory_space<hbm>>) target(%arg7 : memref<128xi32, #tpu.memory_space<vmem>>) target_semaphore(%run_scoped3A_55 : memref<!tpu.dma_semaphore, #tpu.memory_space<semaphore_mem>>)
        %dma_wait3A_58 = tpu.memref_slice %arg3[%add3A_50] : memref<970752xi32, #tpu.memory_space<hbm>> -> memref<128xi32, #tpu.memory_space<hbm>>
        %dma_wait3A_59 = tpu.memref_slice %arg3[%add3A_50] : memref<970752xi32, #tpu.memory_space<hbm>> -> memref<128xi32, #tpu.memory_space<hbm>>
        tpu.wait_dma2 semaphore(%run_scoped3A_55 : memref<!tpu.dma_semaphore, #tpu.memory_space<semaphore_mem>>) src(%dma_wait3A_59 : memref<128xi32, #tpu.memory_space<hbm>>) dst(%arg7 : memref<128xi32, #tpu.memory_space<vmem>>)
        tpu.yield
      }) : () -> ()
      "tpu.region"() ({
        %run_scoped3A_55 = tpu.sem_alloc : memref<!tpu.dma_semaphore, #tpu.memory_space<semaphore_mem>>
        %dma_start3A_56 = tpu.memref_slice %arg4[%mul3A_48] : memref<323584xi32, #tpu.memory_space<hbm>> -> memref<128xi32, #tpu.memory_space<hbm>>
        %dma_start3A_57 = tpu.memref_slice %arg4[%mul3A_48] : memref<323584xi32, #tpu.memory_space<hbm>> -> memref<128xi32, #tpu.memory_space<hbm>>
        tpu.enqueue_dma source(%dma_start3A_57 : memref<128xi32, #tpu.memory_space<hbm>>) target(%arg8 : memref<128xi32, #tpu.memory_space<vmem>>) target_semaphore(%run_scoped3A_55 : memref<!tpu.dma_semaphore, #tpu.memory_space<semaphore_mem>>)
        %dma_wait3A_58 = tpu.memref_slice %arg4[%mul3A_48] : memref<323584xi32, #tpu.memory_space<hbm>> -> memref<128xi32, #tpu.memory_space<hbm>>
        %dma_wait3A_59 = tpu.memref_slice %arg4[%mul3A_48] : memref<323584xi32, #tpu.memory_space<hbm>> -> memref<128xi32, #tpu.memory_space<hbm>>
        tpu.wait_dma2 semaphore(%run_scoped3A_55 : memref<!tpu.dma_semaphore, #tpu.memory_space<semaphore_mem>>) src(%dma_wait3A_59 : memref<128xi32, #tpu.memory_space<hbm>>) dst(%arg8 : memref<128xi32, #tpu.memory_space<vmem>>)
        tpu.yield
      }) : () -> ()
      %dma_start3A = arith.constant 0 : i32
      %dma_start3A_51 = arith.constant 0 : i32
      %dma_start3A_52 = tpu.memref_slice %arg2[%dma_start3A, %dma_start3A_51] : memref<30000x128xf32, #tpu.memory_space<hbm>> -> memref<30000x128xf32, #tpu.memory_space<hbm>>
      tpu.enqueue_indirect_dma source(%dma_start3A_52 : memref<30000x128xf32, #tpu.memory_space<hbm>>) target(%arg9 : memref<128x128xf32, #tpu.memory_space<vmem>>) offsets(%arg7 : memref<128xi32, #tpu.memory_space<vmem>>) semaphore(%arg11 : memref<!tpu.dma_semaphore, #tpu.memory_space<semaphore_mem>>)
      %dma_wait3A = arith.constant 0 : i32
      %dma_wait3A_53 = arith.constant 0 : i32
      %dma_wait3A_54 = tpu.memref_slice %arg2[%dma_wait3A, %dma_wait3A_53] : memref<30000x128xf32, #tpu.memory_space<hbm>> -> memref<30000x128xf32, #tpu.memory_space<hbm>>
      tpu.wait_indirect_dma semaphore(%arg11 : memref<!tpu.dma_semaphore, #tpu.memory_space<semaphore_mem>>) src(%dma_wait3A_54 : memref<30000x128xf32, #tpu.memory_space<hbm>>) dst(%arg9 : memref<128x128xf32, #tpu.memory_space<vmem>>)
      "tpu.region"() ({
        %run_scoped3A_55 = tpu.sem_alloc : memref<!tpu.dma_semaphore, #tpu.memory_space<semaphore_mem>>
        %dma_start3A_56 = arith.constant 0 : i32
        %dma_start3A_57 = arith.constant 0 : i32
        %dma_start3A_58 = tpu.memref_slice %arg10[%dma_start3A_56, %dma_start3A_57] : memref<10240x128xf32, #tpu.memory_space<vmem_shared>> -> memref<10240x128xf32, #tpu.memory_space<vmem_shared>>
        tpu.enqueue_indirect_dma source(%arg9 : memref<128x128xf32, #tpu.memory_space<vmem>>) target(%dma_start3A_58 : memref<10240x128xf32, #tpu.memory_space<vmem_shared>>) offsets(%arg8 : memref<128xi32, #tpu.memory_space<vmem>>) semaphore(%run_scoped3A_55 : memref<!tpu.dma_semaphore, #tpu.memory_space<semaphore_mem>>) {add = true}
        %dma_wait3A_59 = arith.constant 0 : i32
        %dma_wait3A_60 = arith.constant 0 : i32
        %dma_wait3A_61 = tpu.memref_slice %arg10[%dma_wait3A_59, %dma_wait3A_60] : memref<10240x128xf32, #tpu.memory_space<vmem_shared>> -> memref<10240x128xf32, #tpu.memory_space<vmem_shared>>
        tpu.wait_indirect_dma semaphore(%run_scoped3A_55 : memref<!tpu.dma_semaphore, #tpu.memory_space<semaphore_mem>>) src(%arg9 : memref<128x128xf32, #tpu.memory_space<vmem>>) dst(%dma_wait3A_61 : memref<10240x128xf32, #tpu.memory_space<vmem_shared>>)
        tpu.yield
      }) : () -> ()
    }
    %scan3A_6 = arith.constant 79 : i32
    %barrier3A_7 = arith.constant 0 : index
    tpu.barrier barrier_id(%barrier3A_7)
    %mul3A_8 = arith.constant 640 : i32
    %mul3A_9 = arith.muli %arg1, %mul3A_8 : i32
    %mul3A_10 = arith.constant 640 : i32
    %mul3A_11 = arith.muli %arg1, %mul3A_10 : i32
    %run_scoped3A = arith.constant 0 : i32
    "tpu.region"() ({
      %run_scoped3A_43 = tpu.sem_alloc : memref<!tpu.dma_semaphore, #tpu.memory_space<semaphore_mem>>
      %dma_start3A = arith.constant 0 : i32
      %dma_start3A_44 = tpu.memref_slice %arg6[%arg0, %run_scoped3A, %mul3A_11, %dma_start3A] : memref<2x3x10240x128xf32, #tpu.memory_space<hbm>> -> memref<1x1x640x128xf32, #tpu.memory_space<hbm>>
      %dma_start3A_45 = tpu.memref_squeeze %dma_start3A_44 : memref<1x1x640x128xf32, #tpu.memory_space<hbm>> -> memref<640x128xf32, #tpu.memory_space<hbm>>
      %dma_start3A_46 = arith.constant 0 : i32
      %dma_start3A_47 = tpu.memref_slice %arg10[%mul3A_9, %dma_start3A_46] : memref<10240x128xf32, #tpu.memory_space<vmem_shared>> -> memref<640x128xf32, #tpu.memory_space<vmem_shared>>
      tpu.enqueue_dma source(%dma_start3A_47 : memref<640x128xf32, #tpu.memory_space<vmem_shared>>) target(%dma_start3A_45 : memref<640x128xf32, #tpu.memory_space<hbm>>) target_semaphore(%run_scoped3A_43 : memref<!tpu.dma_semaphore, #tpu.memory_space<semaphore_mem>>)
      %dma_wait3A = arith.constant 0 : i32
      %dma_wait3A_48 = tpu.memref_slice %arg6[%arg0, %run_scoped3A, %mul3A_11, %dma_wait3A] : memref<2x3x10240x128xf32, #tpu.memory_space<hbm>> -> memref<1x1x640x128xf32, #tpu.memory_space<hbm>>
      %dma_wait3A_49 = tpu.memref_squeeze %dma_wait3A_48 : memref<1x1x640x128xf32, #tpu.memory_space<hbm>> -> memref<640x128xf32, #tpu.memory_space<hbm>>
      %dma_wait3A_50 = arith.constant 0 : i32
      %dma_wait3A_51 = tpu.memref_slice %arg10[%mul3A_9, %dma_wait3A_50] : memref<10240x128xf32, #tpu.memory_space<vmem_shared>> -> memref<640x128xf32, #tpu.memory_space<vmem_shared>>
      tpu.wait_dma2 semaphore(%run_scoped3A_43 : memref<!tpu.dma_semaphore, #tpu.memory_space<semaphore_mem>>) src(%dma_wait3A_51 : memref<640x128xf32, #tpu.memory_space<vmem_shared>>) dst(%dma_wait3A_49 : memref<640x128xf32, #tpu.memory_space<hbm>>)
      tpu.yield
    }) : () -> ()
    %barrier3A_12 = arith.constant 0 : index
    tpu.barrier barrier_id(%barrier3A_12)
    %mul3A_13 = arith.constant 640 : i32
    %mul3A_14 = arith.muli %arg1, %mul3A_13 : i32
    "tpu.region"() ({
      %run_scoped3A_43 = tpu.sem_alloc : memref<!tpu.dma_semaphore, #tpu.memory_space<semaphore_mem>>
      %dma_start3A = arith.constant 0 : i32
      %dma_start3A_44 = tpu.memref_slice %arg10[%mul3A_14, %dma_start3A] : memref<10240x128xf32, #tpu.memory_space<vmem_shared>> -> memref<640x128xf32, #tpu.memory_space<vmem_shared>>
      tpu.enqueue_dma source(%arg5 : memref<640x128xf32, #tpu.memory_space<hbm>>) target(%dma_start3A_44 : memref<640x128xf32, #tpu.memory_space<vmem_shared>>) target_semaphore(%run_scoped3A_43 : memref<!tpu.dma_semaphore, #tpu.memory_space<semaphore_mem>>)
      %dma_wait3A = arith.constant 0 : i32
      %dma_wait3A_45 = tpu.memref_slice %arg10[%mul3A_14, %dma_wait3A] : memref<10240x128xf32, #tpu.memory_space<vmem_shared>> -> memref<640x128xf32, #tpu.memory_space<vmem_shared>>
      tpu.wait_dma2 semaphore(%run_scoped3A_43 : memref<!tpu.dma_semaphore, #tpu.memory_space<semaphore_mem>>) src(%arg5 : memref<640x128xf32, #tpu.memory_space<hbm>>) dst(%dma_wait3A_45 : memref<640x128xf32, #tpu.memory_space<vmem_shared>>)
      tpu.yield
    }) : () -> ()
    %barrier3A_15 = arith.constant 0 : index
    tpu.barrier barrier_id(%barrier3A_15)
    %scan3A_16 = arith.constant 0 : i32
    %scan3A_17 = arith.constant 79 : i32
    %scan3A_18 = arith.addi %scan3A_16, %scan3A_17 : i32
    %scan3A_19 = arith.constant 1 : i32
    scf.for %scan3A_43 = %scan3A_16 to %scan3A_18 step %scan3A_19  : i32 {
      %mul3A_44 = arith.constant 79 : i32
      %mul3A_45 = arith.muli %add3A, %mul3A_44 : i32
      %add3A_46 = arith.addi %mul3A_45, %scan3A_43 : i32
      %mul3A_47 = arith.constant 128 : i32
      %mul3A_48 = arith.muli %add3A_46, %mul3A_47 : i32
      %add3A_49 = arith.constant 323584 : i32
      %add3A_50 = arith.addi %add3A_49, %mul3A_48 : i32
      "tpu.region"() ({
        %run_scoped3A_55 = tpu.sem_alloc : memref<!tpu.dma_semaphore, #tpu.memory_space<semaphore_mem>>
        %dma_start3A_56 = tpu.memref_slice %arg3[%add3A_50] : memref<970752xi32, #tpu.memory_space<hbm>> -> memref<128xi32, #tpu.memory_space<hbm>>
        %dma_start3A_57 = tpu.memref_slice %arg3[%add3A_50] : memref<970752xi32, #tpu.memory_space<hbm>> -> memref<128xi32, #tpu.memory_space<hbm>>
        tpu.enqueue_dma source(%dma_start3A_57 : memref<128xi32, #tpu.memory_space<hbm>>) target(%arg7 : memref<128xi32, #tpu.memory_space<vmem>>) target_semaphore(%run_scoped3A_55 : memref<!tpu.dma_semaphore, #tpu.memory_space<semaphore_mem>>)
        %dma_wait3A_58 = tpu.memref_slice %arg3[%add3A_50] : memref<970752xi32, #tpu.memory_space<hbm>> -> memref<128xi32, #tpu.memory_space<hbm>>
        %dma_wait3A_59 = tpu.memref_slice %arg3[%add3A_50] : memref<970752xi32, #tpu.memory_space<hbm>> -> memref<128xi32, #tpu.memory_space<hbm>>
        tpu.wait_dma2 semaphore(%run_scoped3A_55 : memref<!tpu.dma_semaphore, #tpu.memory_space<semaphore_mem>>) src(%dma_wait3A_59 : memref<128xi32, #tpu.memory_space<hbm>>) dst(%arg7 : memref<128xi32, #tpu.memory_space<vmem>>)
        tpu.yield
      }) : () -> ()
      "tpu.region"() ({
        %run_scoped3A_55 = tpu.sem_alloc : memref<!tpu.dma_semaphore, #tpu.memory_space<semaphore_mem>>
        %dma_start3A_56 = tpu.memref_slice %arg4[%mul3A_48] : memref<323584xi32, #tpu.memory_space<hbm>> -> memref<128xi32, #tpu.memory_space<hbm>>
        %dma_start3A_57 = tpu.memref_slice %arg4[%mul3A_48] : memref<323584xi32, #tpu.memory_space<hbm>> -> memref<128xi32, #tpu.memory_space<hbm>>
        tpu.enqueue_dma source(%dma_start3A_57 : memref<128xi32, #tpu.memory_space<hbm>>) target(%arg8 : memref<128xi32, #tpu.memory_space<vmem>>) target_semaphore(%run_scoped3A_55 : memref<!tpu.dma_semaphore, #tpu.memory_space<semaphore_mem>>)
        %dma_wait3A_58 = tpu.memref_slice %arg4[%mul3A_48] : memref<323584xi32, #tpu.memory_space<hbm>> -> memref<128xi32, #tpu.memory_space<hbm>>
        %dma_wait3A_59 = tpu.memref_slice %arg4[%mul3A_48] : memref<323584xi32, #tpu.memory_space<hbm>> -> memref<128xi32, #tpu.memory_space<hbm>>
        tpu.wait_dma2 semaphore(%run_scoped3A_55 : memref<!tpu.dma_semaphore, #tpu.memory_space<semaphore_mem>>) src(%dma_wait3A_59 : memref<128xi32, #tpu.memory_space<hbm>>) dst(%arg8 : memref<128xi32, #tpu.memory_space<vmem>>)
        tpu.yield
      }) : () -> ()
      %dma_start3A = arith.constant 0 : i32
      %dma_start3A_51 = arith.constant 0 : i32
      %dma_start3A_52 = tpu.memref_slice %arg2[%dma_start3A, %dma_start3A_51] : memref<30000x128xf32, #tpu.memory_space<hbm>> -> memref<30000x128xf32, #tpu.memory_space<hbm>>
      tpu.enqueue_indirect_dma source(%dma_start3A_52 : memref<30000x128xf32, #tpu.memory_space<hbm>>) target(%arg9 : memref<128x128xf32, #tpu.memory_space<vmem>>) offsets(%arg7 : memref<128xi32, #tpu.memory_space<vmem>>) semaphore(%arg11 : memref<!tpu.dma_semaphore, #tpu.memory_space<semaphore_mem>>)
      %dma_wait3A = arith.constant 0 : i32
      %dma_wait3A_53 = arith.constant 0 : i32
      %dma_wait3A_54 = tpu.memref_slice %arg2[%dma_wait3A, %dma_wait3A_53] : memref<30000x128xf32, #tpu.memory_space<hbm>> -> memref<30000x128xf32, #tpu.memory_space<hbm>>
      tpu.wait_indirect_dma semaphore(%arg11 : memref<!tpu.dma_semaphore, #tpu.memory_space<semaphore_mem>>) src(%dma_wait3A_54 : memref<30000x128xf32, #tpu.memory_space<hbm>>) dst(%arg9 : memref<128x128xf32, #tpu.memory_space<vmem>>)
      "tpu.region"() ({
        %run_scoped3A_55 = tpu.sem_alloc : memref<!tpu.dma_semaphore, #tpu.memory_space<semaphore_mem>>
        %dma_start3A_56 = arith.constant 0 : i32
        %dma_start3A_57 = arith.constant 0 : i32
        %dma_start3A_58 = tpu.memref_slice %arg10[%dma_start3A_56, %dma_start3A_57] : memref<10240x128xf32, #tpu.memory_space<vmem_shared>> -> memref<10240x128xf32, #tpu.memory_space<vmem_shared>>
        tpu.enqueue_indirect_dma source(%arg9 : memref<128x128xf32, #tpu.memory_space<vmem>>) target(%dma_start3A_58 : memref<10240x128xf32, #tpu.memory_space<vmem_shared>>) offsets(%arg8 : memref<128xi32, #tpu.memory_space<vmem>>) semaphore(%run_scoped3A_55 : memref<!tpu.dma_semaphore, #tpu.memory_space<semaphore_mem>>) {add = true}
        %dma_wait3A_59 = arith.constant 0 : i32
        %dma_wait3A_60 = arith.constant 0 : i32
        %dma_wait3A_61 = tpu.memref_slice %arg10[%dma_wait3A_59, %dma_wait3A_60] : memref<10240x128xf32, #tpu.memory_space<vmem_shared>> -> memref<10240x128xf32, #tpu.memory_space<vmem_shared>>
        tpu.wait_indirect_dma semaphore(%run_scoped3A_55 : memref<!tpu.dma_semaphore, #tpu.memory_space<semaphore_mem>>) src(%arg9 : memref<128x128xf32, #tpu.memory_space<vmem>>) dst(%dma_wait3A_61 : memref<10240x128xf32, #tpu.memory_space<vmem_shared>>)
        tpu.yield
      }) : () -> ()
    }
    %scan3A_20 = arith.constant 79 : i32
    %barrier3A_21 = arith.constant 0 : index
    tpu.barrier barrier_id(%barrier3A_21)
    %mul3A_22 = arith.constant 640 : i32
    %mul3A_23 = arith.muli %arg1, %mul3A_22 : i32
    %mul3A_24 = arith.constant 640 : i32
    %mul3A_25 = arith.muli %arg1, %mul3A_24 : i32
    %run_scoped3A_26 = arith.constant 1 : i32
    "tpu.region"() ({
      %run_scoped3A_43 = tpu.sem_alloc : memref<!tpu.dma_semaphore, #tpu.memory_space<semaphore_mem>>
      %dma_start3A = arith.constant 0 : i32
      %dma_start3A_44 = tpu.memref_slice %arg6[%arg0, %run_scoped3A_26, %mul3A_25, %dma_start3A] : memref<2x3x10240x128xf32, #tpu.memory_space<hbm>> -> memref<1x1x640x128xf32, #tpu.memory_space<hbm>>
      %dma_start3A_45 = tpu.memref_squeeze %dma_start3A_44 : memref<1x1x640x128xf32, #tpu.memory_space<hbm>> -> memref<640x128xf32, #tpu.memory_space<hbm>>
      %dma_start3A_46 = arith.constant 0 : i32
      %dma_start3A_47 = tpu.memref_slice %arg10[%mul3A_23, %dma_start3A_46] : memref<10240x128xf32, #tpu.memory_space<vmem_shared>> -> memref<640x128xf32, #tpu.memory_space<vmem_shared>>
      tpu.enqueue_dma source(%dma_start3A_47 : memref<640x128xf32, #tpu.memory_space<vmem_shared>>) target(%dma_start3A_45 : memref<640x128xf32, #tpu.memory_space<hbm>>) target_semaphore(%run_scoped3A_43 : memref<!tpu.dma_semaphore, #tpu.memory_space<semaphore_mem>>)
      %dma_wait3A = arith.constant 0 : i32
      %dma_wait3A_48 = tpu.memref_slice %arg6[%arg0, %run_scoped3A_26, %mul3A_25, %dma_wait3A] : memref<2x3x10240x128xf32, #tpu.memory_space<hbm>> -> memref<1x1x640x128xf32, #tpu.memory_space<hbm>>
      %dma_wait3A_49 = tpu.memref_squeeze %dma_wait3A_48 : memref<1x1x640x128xf32, #tpu.memory_space<hbm>> -> memref<640x128xf32, #tpu.memory_space<hbm>>
      %dma_wait3A_50 = arith.constant 0 : i32
      %dma_wait3A_51 = tpu.memref_slice %arg10[%mul3A_23, %dma_wait3A_50] : memref<10240x128xf32, #tpu.memory_space<vmem_shared>> -> memref<640x128xf32, #tpu.memory_space<vmem_shared>>
      tpu.wait_dma2 semaphore(%run_scoped3A_43 : memref<!tpu.dma_semaphore, #tpu.memory_space<semaphore_mem>>) src(%dma_wait3A_51 : memref<640x128xf32, #tpu.memory_space<vmem_shared>>) dst(%dma_wait3A_49 : memref<640x128xf32, #tpu.memory_space<hbm>>)
      tpu.yield
    }) : () -> ()
    %barrier3A_27 = arith.constant 0 : index
    tpu.barrier barrier_id(%barrier3A_27)
    %mul3A_28 = arith.constant 640 : i32
    %mul3A_29 = arith.muli %arg1, %mul3A_28 : i32
    "tpu.region"() ({
      %run_scoped3A_43 = tpu.sem_alloc : memref<!tpu.dma_semaphore, #tpu.memory_space<semaphore_mem>>
      %dma_start3A = arith.constant 0 : i32
      %dma_start3A_44 = tpu.memref_slice %arg10[%mul3A_29, %dma_start3A] : memref<10240x128xf32, #tpu.memory_space<vmem_shared>> -> memref<640x128xf32, #tpu.memory_space<vmem_shared>>
      tpu.enqueue_dma source(%arg5 : memref<640x128xf32, #tpu.memory_space<hbm>>) target(%dma_start3A_44 : memref<640x128xf32, #tpu.memory_space<vmem_shared>>) target_semaphore(%run_scoped3A_43 : memref<!tpu.dma_semaphore, #tpu.memory_space<semaphore_mem>>)
      %dma_wait3A = arith.constant 0 : i32
      %dma_wait3A_45 = tpu.memref_slice %arg10[%mul3A_29, %dma_wait3A] : memref<10240x128xf32, #tpu.memory_space<vmem_shared>> -> memref<640x128xf32, #tpu.memory_space<vmem_shared>>
      tpu.wait_dma2 semaphore(%run_scoped3A_43 : memref<!tpu.dma_semaphore, #tpu.memory_space<semaphore_mem>>) src(%arg5 : memref<640x128xf32, #tpu.memory_space<hbm>>) dst(%dma_wait3A_45 : memref<640x128xf32, #tpu.memory_space<vmem_shared>>)
      tpu.yield
    }) : () -> ()
    %barrier3A_30 = arith.constant 0 : index
    tpu.barrier barrier_id(%barrier3A_30)
    %scan3A_31 = arith.constant 0 : i32
    %scan3A_32 = arith.constant 79 : i32
    %scan3A_33 = arith.addi %scan3A_31, %scan3A_32 : i32
    %scan3A_34 = arith.constant 1 : i32
    scf.for %scan3A_43 = %scan3A_31 to %scan3A_33 step %scan3A_34  : i32 {
      %mul3A_44 = arith.constant 79 : i32
      %mul3A_45 = arith.muli %add3A, %mul3A_44 : i32
      %add3A_46 = arith.addi %mul3A_45, %scan3A_43 : i32
      %mul3A_47 = arith.constant 128 : i32
      %mul3A_48 = arith.muli %add3A_46, %mul3A_47 : i32
      %add3A_49 = arith.constant 647168 : i32
      %add3A_50 = arith.addi %add3A_49, %mul3A_48 : i32
      "tpu.region"() ({
        %run_scoped3A_55 = tpu.sem_alloc : memref<!tpu.dma_semaphore, #tpu.memory_space<semaphore_mem>>
        %dma_start3A_56 = tpu.memref_slice %arg3[%add3A_50] : memref<970752xi32, #tpu.memory_space<hbm>> -> memref<128xi32, #tpu.memory_space<hbm>>
        %dma_start3A_57 = tpu.memref_slice %arg3[%add3A_50] : memref<970752xi32, #tpu.memory_space<hbm>> -> memref<128xi32, #tpu.memory_space<hbm>>
        tpu.enqueue_dma source(%dma_start3A_57 : memref<128xi32, #tpu.memory_space<hbm>>) target(%arg7 : memref<128xi32, #tpu.memory_space<vmem>>) target_semaphore(%run_scoped3A_55 : memref<!tpu.dma_semaphore, #tpu.memory_space<semaphore_mem>>)
        %dma_wait3A_58 = tpu.memref_slice %arg3[%add3A_50] : memref<970752xi32, #tpu.memory_space<hbm>> -> memref<128xi32, #tpu.memory_space<hbm>>
        %dma_wait3A_59 = tpu.memref_slice %arg3[%add3A_50] : memref<970752xi32, #tpu.memory_space<hbm>> -> memref<128xi32, #tpu.memory_space<hbm>>
        tpu.wait_dma2 semaphore(%run_scoped3A_55 : memref<!tpu.dma_semaphore, #tpu.memory_space<semaphore_mem>>) src(%dma_wait3A_59 : memref<128xi32, #tpu.memory_space<hbm>>) dst(%arg7 : memref<128xi32, #tpu.memory_space<vmem>>)
        tpu.yield
      }) : () -> ()
      "tpu.region"() ({
        %run_scoped3A_55 = tpu.sem_alloc : memref<!tpu.dma_semaphore, #tpu.memory_space<semaphore_mem>>
        %dma_start3A_56 = tpu.memref_slice %arg4[%mul3A_48] : memref<323584xi32, #tpu.memory_space<hbm>> -> memref<128xi32, #tpu.memory_space<hbm>>
        %dma_start3A_57 = tpu.memref_slice %arg4[%mul3A_48] : memref<323584xi32, #tpu.memory_space<hbm>> -> memref<128xi32, #tpu.memory_space<hbm>>
        tpu.enqueue_dma source(%dma_start3A_57 : memref<128xi32, #tpu.memory_space<hbm>>) target(%arg8 : memref<128xi32, #tpu.memory_space<vmem>>) target_semaphore(%run_scoped3A_55 : memref<!tpu.dma_semaphore, #tpu.memory_space<semaphore_mem>>)
        %dma_wait3A_58 = tpu.memref_slice %arg4[%mul3A_48] : memref<323584xi32, #tpu.memory_space<hbm>> -> memref<128xi32, #tpu.memory_space<hbm>>
        %dma_wait3A_59 = tpu.memref_slice %arg4[%mul3A_48] : memref<323584xi32, #tpu.memory_space<hbm>> -> memref<128xi32, #tpu.memory_space<hbm>>
        tpu.wait_dma2 semaphore(%run_scoped3A_55 : memref<!tpu.dma_semaphore, #tpu.memory_space<semaphore_mem>>) src(%dma_wait3A_59 : memref<128xi32, #tpu.memory_space<hbm>>) dst(%arg8 : memref<128xi32, #tpu.memory_space<vmem>>)
        tpu.yield
      }) : () -> ()
      %dma_start3A = arith.constant 0 : i32
      %dma_start3A_51 = arith.constant 0 : i32
      %dma_start3A_52 = tpu.memref_slice %arg2[%dma_start3A, %dma_start3A_51] : memref<30000x128xf32, #tpu.memory_space<hbm>> -> memref<30000x128xf32, #tpu.memory_space<hbm>>
      tpu.enqueue_indirect_dma source(%dma_start3A_52 : memref<30000x128xf32, #tpu.memory_space<hbm>>) target(%arg9 : memref<128x128xf32, #tpu.memory_space<vmem>>) offsets(%arg7 : memref<128xi32, #tpu.memory_space<vmem>>) semaphore(%arg11 : memref<!tpu.dma_semaphore, #tpu.memory_space<semaphore_mem>>)
      %dma_wait3A = arith.constant 0 : i32
      %dma_wait3A_53 = arith.constant 0 : i32
      %dma_wait3A_54 = tpu.memref_slice %arg2[%dma_wait3A, %dma_wait3A_53] : memref<30000x128xf32, #tpu.memory_space<hbm>> -> memref<30000x128xf32, #tpu.memory_space<hbm>>
      tpu.wait_indirect_dma semaphore(%arg11 : memref<!tpu.dma_semaphore, #tpu.memory_space<semaphore_mem>>) src(%dma_wait3A_54 : memref<30000x128xf32, #tpu.memory_space<hbm>>) dst(%arg9 : memref<128x128xf32, #tpu.memory_space<vmem>>)
      "tpu.region"() ({
        %run_scoped3A_55 = tpu.sem_alloc : memref<!tpu.dma_semaphore, #tpu.memory_space<semaphore_mem>>
        %dma_start3A_56 = arith.constant 0 : i32
        %dma_start3A_57 = arith.constant 0 : i32
        %dma_start3A_58 = tpu.memref_slice %arg10[%dma_start3A_56, %dma_start3A_57] : memref<10240x128xf32, #tpu.memory_space<vmem_shared>> -> memref<10240x128xf32, #tpu.memory_space<vmem_shared>>
        tpu.enqueue_indirect_dma source(%arg9 : memref<128x128xf32, #tpu.memory_space<vmem>>) target(%dma_start3A_58 : memref<10240x128xf32, #tpu.memory_space<vmem_shared>>) offsets(%arg8 : memref<128xi32, #tpu.memory_space<vmem>>) semaphore(%run_scoped3A_55 : memref<!tpu.dma_semaphore, #tpu.memory_space<semaphore_mem>>) {add = true}
        %dma_wait3A_59 = arith.constant 0 : i32
        %dma_wait3A_60 = arith.constant 0 : i32
        %dma_wait3A_61 = tpu.memref_slice %arg10[%dma_wait3A_59, %dma_wait3A_60] : memref<10240x128xf32, #tpu.memory_space<vmem_shared>> -> memref<10240x128xf32, #tpu.memory_space<vmem_shared>>
        tpu.wait_indirect_dma semaphore(%run_scoped3A_55 : memref<!tpu.dma_semaphore, #tpu.memory_space<semaphore_mem>>) src(%arg9 : memref<128x128xf32, #tpu.memory_space<vmem>>) dst(%dma_wait3A_61 : memref<10240x128xf32, #tpu.memory_space<vmem_shared>>)
        tpu.yield
      }) : () -> ()
    }
    %scan3A_35 = arith.constant 79 : i32
    %barrier3A_36 = arith.constant 0 : index
    tpu.barrier barrier_id(%barrier3A_36)
    %mul3A_37 = arith.constant 640 : i32
    %mul3A_38 = arith.muli %arg1, %mul3A_37 : i32
    %mul3A_39 = arith.constant 640 : i32
    %mul3A_40 = arith.muli %arg1, %mul3A_39 : i32
    %run_scoped3A_41 = arith.constant 2 : i32
    "tpu.region"() ({
      %run_scoped3A_43 = tpu.sem_alloc : memref<!tpu.dma_semaphore, #tpu.memory_space<semaphore_mem>>
      %dma_start3A = arith.constant 0 : i32
      %dma_start3A_44 = tpu.memref_slice %arg6[%arg0, %run_scoped3A_41, %mul3A_40, %dma_start3A] : memref<2x3x10240x128xf32, #tpu.memory_space<hbm>> -> memref<1x1x640x128xf32, #tpu.memory_space<hbm>>
      %dma_start3A_45 = tpu.memref_squeeze %dma_start3A_44 : memref<1x1x640x128xf32, #tpu.memory_space<hbm>> -> memref<640x128xf32, #tpu.memory_space<hbm>>
      %dma_start3A_46 = arith.constant 0 : i32
      %dma_start3A_47 = tpu.memref_slice %arg10[%mul3A_38, %dma_start3A_46] : memref<10240x128xf32, #tpu.memory_space<vmem_shared>> -> memref<640x128xf32, #tpu.memory_space<vmem_shared>>
      tpu.enqueue_dma source(%dma_start3A_47 : memref<640x128xf32, #tpu.memory_space<vmem_shared>>) target(%dma_start3A_45 : memref<640x128xf32, #tpu.memory_space<hbm>>) target_semaphore(%run_scoped3A_43 : memref<!tpu.dma_semaphore, #tpu.memory_space<semaphore_mem>>)
      %dma_wait3A = arith.constant 0 : i32
      %dma_wait3A_48 = tpu.memref_slice %arg6[%arg0, %run_scoped3A_41, %mul3A_40, %dma_wait3A] : memref<2x3x10240x128xf32, #tpu.memory_space<hbm>> -> memref<1x1x640x128xf32, #tpu.memory_space<hbm>>
      %dma_wait3A_49 = tpu.memref_squeeze %dma_wait3A_48 : memref<1x1x640x128xf32, #tpu.memory_space<hbm>> -> memref<640x128xf32, #tpu.memory_space<hbm>>
      %dma_wait3A_50 = arith.constant 0 : i32
      %dma_wait3A_51 = tpu.memref_slice %arg10[%mul3A_38, %dma_wait3A_50] : memref<10240x128xf32, #tpu.memory_space<vmem_shared>> -> memref<640x128xf32, #tpu.memory_space<vmem_shared>>
      tpu.wait_dma2 semaphore(%run_scoped3A_43 : memref<!tpu.dma_semaphore, #tpu.memory_space<semaphore_mem>>) src(%dma_wait3A_51 : memref<640x128xf32, #tpu.memory_space<vmem_shared>>) dst(%dma_wait3A_49 : memref<640x128xf32, #tpu.memory_space<hbm>>)
      tpu.yield
    }) : () -> ()
    %barrier3A_42 = arith.constant 0 : index
    tpu.barrier barrier_id(%barrier3A_42)
    return
  }
}

module attributes {stable_mosaic.version = 14 : i64} {
  func.func @_front_body(%arg0: i32, %arg1: memref<4x400x128xf32, #tpu.memory_space<vmem>>, %arg2: memref<128x128xf32, #tpu.memory_space<vmem>>, %arg3: memref<1x128xf32, #tpu.memory_space<vmem>>, %arg4: memref<128x128xf32, #tpu.memory_space<vmem>>, %arg5: memref<1x128xf32, #tpu.memory_space<vmem>>, %arg6: memref<4x400x128xf32, #tpu.memory_space<vmem>>, %arg7: memref<3x400x128xf32, #tpu.memory_space<vmem>>) attributes {dimension_semantics = [#tpu.dimension_semantics<arbitrary>], iteration_bounds = array<i64: 25>, scalar_prefetch = 0 : i64, scratch_operands = 0 : i64, tpu.core_type = #tpu.core_type<tc>, window_params = [{transform_indices = @transform_0, window_bounds = array<i64: 4, 400, 128>}, {pipeline_mode = #tpu.pipeline_mode<synchronous>, transform_indices = @transform_1, window_bounds = array<i64: 128, 128>}, {pipeline_mode = #tpu.pipeline_mode<synchronous>, transform_indices = @transform_2, window_bounds = array<i64: 1, 128>}, {pipeline_mode = #tpu.pipeline_mode<synchronous>, transform_indices = @transform_3, window_bounds = array<i64: 128, 128>}, {pipeline_mode = #tpu.pipeline_mode<synchronous>, transform_indices = @transform_4, window_bounds = array<i64: 1, 128>}, {transform_indices = @transform_5, window_bounds = array<i64: 4, 400, 128>}, {transform_indices = @transform_6, window_bounds = array<i64: 3, 400, 128>}]} {
    %get3A = arith.constant 0 : index
    %get3A_0 = arith.constant 0 : index
    %get3A_1 = arith.constant 0 : index
    %get3A_2 = vector.load %arg1[%get3A, %get3A_0, %get3A_1] : memref<4x400x128xf32, #tpu.memory_space<vmem>>, vector<4x400x128xf32>
    %get3A_3 = arith.constant 0 : index
    %get3A_4 = arith.constant 0 : index
    %get3A_5 = vector.load %arg2[%get3A_3, %get3A_4] : memref<128x128xf32, #tpu.memory_space<vmem>>, vector<128x128xf32>
    %get3A_6 = arith.constant 0 : index
    %get3A_7 = arith.constant 0 : index
    %get3A_8 = vector.load %arg4[%get3A_6, %get3A_7] : memref<128x128xf32, #tpu.memory_space<vmem>>, vector<128x128xf32>
    %get3A_9 = arith.constant 0 : index
    %get3A_10 = arith.constant 0 : index
    %get3A_11 = vector.load %arg3[%get3A_9, %get3A_10] : memref<1x128xf32, #tpu.memory_space<vmem>>, vector<1x128xf32>
    %get3A_12 = arith.constant 0 : index
    %get3A_13 = arith.constant 0 : index
    %get3A_14 = vector.load %arg5[%get3A_12, %get3A_13] : memref<1x128xf32, #tpu.memory_space<vmem>>, vector<1x128xf32>
    %slice3A = vector.extract_strided_slice %get3A_2 {offsets = [0, 0, 0], sizes = [1, 400, 128], strides = [1, 1, 1]} : vector<4x400x128xf32> to vector<1x400x128xf32>
    %squeeze3A = vector.shape_cast %slice3A : vector<1x400x128xf32> to vector<400x128xf32>
    %dot_general3A = arith.constant dense<0.000000e+00> : vector<400x128xf32>
    %dot_general3A_15 = tpu.matmul %squeeze3A, %get3A_5, %dot_general3A {dimension_numbers = #tpu.dot_dimension_numbers<[1], [0], [0], [1], [0, 0, 1, 1], [], []>, transpose_lhs_hint = false} : vector<400x128xf32>, vector<128x128xf32>, vector<400x128xf32> -> vector<400x128xf32>
    %add3A = vector.broadcast %get3A_11 : vector<1x128xf32> to vector<400x128xf32>
    %add3A_16 = arith.addf %dot_general3A_15, %add3A : vector<400x128xf32>
    %swap3A = arith.constant 0 : index
    %swap3A_17 = arith.constant 0 : index
    %swap3A_18 = arith.constant 0 : index
    %swap3A_19 = vector.load %arg6[%swap3A, %swap3A_17, %swap3A_18] : memref<4x400x128xf32, #tpu.memory_space<vmem>>, vector<1x400x128xf32>
    %swap3A_20 = vector.shape_cast %swap3A_19 : vector<1x400x128xf32> to vector<400x128xf32>
    %swap3A_21 = vector.shape_cast %add3A_16 : vector<400x128xf32> to vector<1x400x128xf32>
    tpu.vector_store %arg6[%swap3A, %swap3A_17, %swap3A_18], %swap3A_21 {strides = array<i32>} : memref<4x400x128xf32, #tpu.memory_space<vmem>>, vector<1x400x128xf32>,
    %dot_general3A_22 = arith.constant dense<0.000000e+00> : vector<400x128xf32>
    %dot_general3A_23 = tpu.matmul %add3A_16, %get3A_8, %dot_general3A_22 {dimension_numbers = #tpu.dot_dimension_numbers<[1], [0], [0], [1], [0, 0, 1, 1], [], []>, transpose_lhs_hint = false} : vector<400x128xf32>, vector<128x128xf32>, vector<400x128xf32> -> vector<400x128xf32>
    %add3A_24 = vector.broadcast %get3A_14 : vector<1x128xf32> to vector<400x128xf32>
    %add3A_25 = arith.addf %dot_general3A_23, %add3A_24 : vector<400x128xf32>
    %slice3A_26 = vector.extract_strided_slice %get3A_2 {offsets = [1, 0, 0], sizes = [1, 400, 128], strides = [1, 1, 1]} : vector<4x400x128xf32> to vector<1x400x128xf32>
    %squeeze3A_27 = vector.shape_cast %slice3A_26 : vector<1x400x128xf32> to vector<400x128xf32>
    %dot_general3A_28 = arith.constant dense<0.000000e+00> : vector<400x128xf32>
    %dot_general3A_29 = tpu.matmul %squeeze3A_27, %get3A_5, %dot_general3A_28 {dimension_numbers = #tpu.dot_dimension_numbers<[1], [0], [0], [1], [0, 0, 1, 1], [], []>, transpose_lhs_hint = false} : vector<400x128xf32>, vector<128x128xf32>, vector<400x128xf32> -> vector<400x128xf32>
    %add3A_30 = vector.broadcast %get3A_11 : vector<1x128xf32> to vector<400x128xf32>
    %add3A_31 = arith.addf %dot_general3A_29, %add3A_30 : vector<400x128xf32>
    %swap3A_32 = arith.constant 1 : index
    %swap3A_33 = arith.constant 0 : index
    %swap3A_34 = arith.constant 0 : index
    %swap3A_35 = vector.load %arg6[%swap3A_32, %swap3A_33, %swap3A_34] : memref<4x400x128xf32, #tpu.memory_space<vmem>>, vector<1x400x128xf32>
    %swap3A_36 = vector.shape_cast %swap3A_35 : vector<1x400x128xf32> to vector<400x128xf32>
    %swap3A_37 = vector.shape_cast %add3A_31 : vector<400x128xf32> to vector<1x400x128xf32>
    tpu.vector_store %arg6[%swap3A_32, %swap3A_33, %swap3A_34], %swap3A_37 {strides = array<i32>} : memref<4x400x128xf32, #tpu.memory_space<vmem>>, vector<1x400x128xf32>,
    %dot_general3A_38 = arith.constant dense<0.000000e+00> : vector<400x128xf32>
    %dot_general3A_39 = tpu.matmul %add3A_31, %get3A_8, %dot_general3A_38 {dimension_numbers = #tpu.dot_dimension_numbers<[1], [0], [0], [1], [0, 0, 1, 1], [], []>, transpose_lhs_hint = false} : vector<400x128xf32>, vector<128x128xf32>, vector<400x128xf32> -> vector<400x128xf32>
    %add3A_40 = vector.broadcast %get3A_14 : vector<1x128xf32> to vector<400x128xf32>
    %add3A_41 = arith.addf %dot_general3A_39, %add3A_40 : vector<400x128xf32>
    %slice3A_42 = vector.extract_strided_slice %get3A_2 {offsets = [2, 0, 0], sizes = [1, 400, 128], strides = [1, 1, 1]} : vector<4x400x128xf32> to vector<1x400x128xf32>
    %squeeze3A_43 = vector.shape_cast %slice3A_42 : vector<1x400x128xf32> to vector<400x128xf32>
    %dot_general3A_44 = arith.constant dense<0.000000e+00> : vector<400x128xf32>
    %dot_general3A_45 = tpu.matmul %squeeze3A_43, %get3A_5, %dot_general3A_44 {dimension_numbers = #tpu.dot_dimension_numbers<[1], [0], [0], [1], [0, 0, 1, 1], [], []>, transpose_lhs_hint = false} : vector<400x128xf32>, vector<128x128xf32>, vector<400x128xf32> -> vector<400x128xf32>
    %add3A_46 = vector.broadcast %get3A_11 : vector<1x128xf32> to vector<400x128xf32>
    %add3A_47 = arith.addf %dot_general3A_45, %add3A_46 : vector<400x128xf32>
    %swap3A_48 = arith.constant 2 : index
    %swap3A_49 = arith.constant 0 : index
    %swap3A_50 = arith.constant 0 : index
    %swap3A_51 = vector.load %arg6[%swap3A_48, %swap3A_49, %swap3A_50] : memref<4x400x128xf32, #tpu.memory_space<vmem>>, vector<1x400x128xf32>
    %swap3A_52 = vector.shape_cast %swap3A_51 : vector<1x400x128xf32> to vector<400x128xf32>
    %swap3A_53 = vector.shape_cast %add3A_47 : vector<400x128xf32> to vector<1x400x128xf32>
    tpu.vector_store %arg6[%swap3A_48, %swap3A_49, %swap3A_50], %swap3A_53 {strides = array<i32>} : memref<4x400x128xf32, #tpu.memory_space<vmem>>, vector<1x400x128xf32>,
    %dot_general3A_54 = arith.constant dense<0.000000e+00> : vector<400x128xf32>
    %dot_general3A_55 = tpu.matmul %add3A_47, %get3A_8, %dot_general3A_54 {dimension_numbers = #tpu.dot_dimension_numbers<[1], [0], [0], [1], [0, 0, 1, 1], [], []>, transpose_lhs_hint = false} : vector<400x128xf32>, vector<128x128xf32>, vector<400x128xf32> -> vector<400x128xf32>
    %add3A_56 = vector.broadcast %get3A_14 : vector<1x128xf32> to vector<400x128xf32>
    %add3A_57 = arith.addf %dot_general3A_55, %add3A_56 : vector<400x128xf32>
    %slice3A_58 = vector.extract_strided_slice %get3A_2 {offsets = [3, 0, 0], sizes = [1, 400, 128], strides = [1, 1, 1]} : vector<4x400x128xf32> to vector<1x400x128xf32>
    %squeeze3A_59 = vector.shape_cast %slice3A_58 : vector<1x400x128xf32> to vector<400x128xf32>
    %dot_general3A_60 = arith.constant dense<0.000000e+00> : vector<400x128xf32>
    %dot_general3A_61 = tpu.matmul %squeeze3A_59, %get3A_5, %dot_general3A_60 {dimension_numbers = #tpu.dot_dimension_numbers<[1], [0], [0], [1], [0, 0, 1, 1], [], []>, transpose_lhs_hint = false} : vector<400x128xf32>, vector<128x128xf32>, vector<400x128xf32> -> vector<400x128xf32>
    %add3A_62 = vector.broadcast %get3A_11 : vector<1x128xf32> to vector<400x128xf32>
    %add3A_63 = arith.addf %dot_general3A_61, %add3A_62 : vector<400x128xf32>
    %swap3A_64 = arith.constant 3 : index
    %swap3A_65 = arith.constant 0 : index
    %swap3A_66 = arith.constant 0 : index
    %swap3A_67 = vector.load %arg6[%swap3A_64, %swap3A_65, %swap3A_66] : memref<4x400x128xf32, #tpu.memory_space<vmem>>, vector<1x400x128xf32>
    %swap3A_68 = vector.shape_cast %swap3A_67 : vector<1x400x128xf32> to vector<400x128xf32>
    %swap3A_69 = vector.shape_cast %add3A_63 : vector<400x128xf32> to vector<1x400x128xf32>
    tpu.vector_store %arg6[%swap3A_64, %swap3A_65, %swap3A_66], %swap3A_69 {strides = array<i32>} : memref<4x400x128xf32, #tpu.memory_space<vmem>>, vector<1x400x128xf32>,
    %dot_general3A_70 = arith.constant dense<0.000000e+00> : vector<400x128xf32>
    %dot_general3A_71 = tpu.matmul %add3A_63, %get3A_8, %dot_general3A_70 {dimension_numbers = #tpu.dot_dimension_numbers<[1], [0], [0], [1], [0, 0, 1, 1], [], []>, transpose_lhs_hint = false} : vector<400x128xf32>, vector<128x128xf32>, vector<400x128xf32> -> vector<400x128xf32>
    %add3A_72 = vector.broadcast %get3A_14 : vector<1x128xf32> to vector<400x128xf32>
    %add3A_73 = arith.addf %dot_general3A_71, %add3A_72 : vector<400x128xf32>
    %mul3A = arith.mulf %add3A_25, %add3A_41 : vector<400x128xf32>
    %reduce_max3A = arith.constant dense<0xFF800000> : vector<400xf32>
    %reduce_max3A_74 = vector.multi_reduction <maximumf>, %mul3A, %reduce_max3A [1] : vector<400x128xf32> to vector<400xf32>
    %broadcast_in_dim3A = vector.shape_cast %reduce_max3A_74 : vector<400xf32> to vector<400x1xf32>
    %sub3A = vector.broadcast %broadcast_in_dim3A : vector<400x1xf32> to vector<400x128xf32>
    %sub3A_75 = arith.subf %mul3A, %sub3A : vector<400x128xf32>
    %exp3A = math.exp %sub3A_75 : vector<400x128xf32>
    %reduce_sum3A = arith.constant dense<0.000000e+00> : vector<400xf32>
    %reduce_sum3A_76 = vector.multi_reduction <add>, %exp3A, %reduce_sum3A [1] : vector<400x128xf32> to vector<400xf32>
    %broadcast_in_dim3A_77 = vector.shape_cast %reduce_sum3A_76 : vector<400xf32> to vector<400x1xf32>
    %div3A = vector.broadcast %broadcast_in_dim3A_77 : vector<400x1xf32> to vector<400x128xf32>
    %div3A_78 = arith.divf %exp3A, %div3A : vector<400x128xf32>
    %swap3A_79 = arith.constant 0 : index
    %swap3A_80 = arith.constant 0 : index
    %swap3A_81 = arith.constant 0 : index
    %swap3A_82 = vector.load %arg7[%swap3A_79, %swap3A_80, %swap3A_81] : memref<3x400x128xf32, #tpu.memory_space<vmem>>, vector<1x400x128xf32>
    %swap3A_83 = vector.shape_cast %swap3A_82 : vector<1x400x128xf32> to vector<400x128xf32>
    %swap3A_84 = vector.shape_cast %div3A_78 : vector<400x128xf32> to vector<1x400x128xf32>
    tpu.vector_store %arg7[%swap3A_79, %swap3A_80, %swap3A_81], %swap3A_84 {strides = array<i32>} : memref<3x400x128xf32, #tpu.memory_space<vmem>>, vector<1x400x128xf32>,
    %mul3A_85 = arith.mulf %add3A_41, %add3A_57 : vector<400x128xf32>
    %reduce_max3A_86 = arith.constant dense<0xFF800000> : vector<400xf32>
    %reduce_max3A_87 = vector.multi_reduction <maximumf>, %mul3A_85, %reduce_max3A_86 [1] : vector<400x128xf32> to vector<400xf32>
    %broadcast_in_dim3A_88 = vector.shape_cast %reduce_max3A_87 : vector<400xf32> to vector<400x1xf32>
    %sub3A_89 = vector.broadcast %broadcast_in_dim3A_88 : vector<400x1xf32> to vector<400x128xf32>
    %sub3A_90 = arith.subf %mul3A_85, %sub3A_89 : vector<400x128xf32>
    %exp3A_91 = math.exp %sub3A_90 : vector<400x128xf32>
    %reduce_sum3A_92 = arith.constant dense<0.000000e+00> : vector<400xf32>
    %reduce_sum3A_93 = vector.multi_reduction <add>, %exp3A_91, %reduce_sum3A_92 [1] : vector<400x128xf32> to vector<400xf32>
    %broadcast_in_dim3A_94 = vector.shape_cast %reduce_sum3A_93 : vector<400xf32> to vector<400x1xf32>
    %div3A_95 = vector.broadcast %broadcast_in_dim3A_94 : vector<400x1xf32> to vector<400x128xf32>
    %div3A_96 = arith.divf %exp3A_91, %div3A_95 : vector<400x128xf32>
    %swap3A_97 = arith.constant 1 : index
    %swap3A_98 = arith.constant 0 : index
    %swap3A_99 = arith.constant 0 : index
    %swap3A_100 = vector.load %arg7[%swap3A_97, %swap3A_98, %swap3A_99] : memref<3x400x128xf32, #tpu.memory_space<vmem>>, vector<1x400x128xf32>
    %swap3A_101 = vector.shape_cast %swap3A_100 : vector<1x400x128xf32> to vector<400x128xf32>
    %swap3A_102 = vector.shape_cast %div3A_96 : vector<400x128xf32> to vector<1x400x128xf32>
    tpu.vector_store %arg7[%swap3A_97, %swap3A_98, %swap3A_99], %swap3A_102 {strides = array<i32>} : memref<3x400x128xf32, #tpu.memory_space<vmem>>, vector<1x400x128xf32>,
    %mul3A_103 = arith.mulf %add3A_57, %add3A_73 : vector<400x128xf32>
    %reduce_max3A_104 = arith.constant dense<0xFF800000> : vector<400xf32>
    %reduce_max3A_105 = vector.multi_reduction <maximumf>, %mul3A_103, %reduce_max3A_104 [1] : vector<400x128xf32> to vector<400xf32>
    %broadcast_in_dim3A_106 = vector.shape_cast %reduce_max3A_105 : vector<400xf32> to vector<400x1xf32>
    %sub3A_107 = vector.broadcast %broadcast_in_dim3A_106 : vector<400x1xf32> to vector<400x128xf32>
    %sub3A_108 = arith.subf %mul3A_103, %sub3A_107 : vector<400x128xf32>
    %exp3A_109 = math.exp %sub3A_108 : vector<400x128xf32>
    %reduce_sum3A_110 = arith.constant dense<0.000000e+00> : vector<400xf32>
    %reduce_sum3A_111 = vector.multi_reduction <add>, %exp3A_109, %reduce_sum3A_110 [1] : vector<400x128xf32> to vector<400xf32>
    %broadcast_in_dim3A_112 = vector.shape_cast %reduce_sum3A_111 : vector<400xf32> to vector<400x1xf32>
    %div3A_113 = vector.broadcast %broadcast_in_dim3A_112 : vector<400x1xf32> to vector<400x128xf32>
    %div3A_114 = arith.divf %exp3A_109, %div3A_113 : vector<400x128xf32>
    %swap3A_115 = arith.constant 2 : index
    %swap3A_116 = arith.constant 0 : index
    %swap3A_117 = arith.constant 0 : index
    %swap3A_118 = vector.load %arg7[%swap3A_115, %swap3A_116, %swap3A_117] : memref<3x400x128xf32, #tpu.memory_space<vmem>>, vector<1x400x128xf32>
    %swap3A_119 = vector.shape_cast %swap3A_118 : vector<1x400x128xf32> to vector<400x128xf32>
    %swap3A_120 = vector.shape_cast %div3A_114 : vector<400x128xf32> to vector<1x400x128xf32>
    tpu.vector_store %arg7[%swap3A_115, %swap3A_116, %swap3A_117], %swap3A_120 {strides = array<i32>} : memref<3x400x128xf32, #tpu.memory_space<vmem>>, vector<1x400x128xf32>,
    return
  }
  func.func @transform_0(%arg0: i32) -> (i32, i32, i32) {
    %c0_i32 = arith.constant 0 : i32
    %c0_i32_0 = arith.constant 0 : i32
    %c0_i32_1 = arith.constant 0 : i32
    return %c0_i32, %arg0, %c0_i32_0 : i32, i32, i32
  }
  func.func @transform_1(%arg0: i32) -> (i32, i32) {
    %c0_i32 = arith.constant 0 : i32
    %c0_i32_0 = arith.constant 0 : i32
    %c0_i32_1 = arith.constant 0 : i32
    return %c0_i32, %c0_i32_0 : i32, i32
  }
  func.func @transform_2(%arg0: i32) -> (i32, i32) {
    %c0_i32 = arith.constant 0 : i32
    %c0_i32_0 = arith.constant 0 : i32
    %c0_i32_1 = arith.constant 0 : i32
    return %c0_i32, %c0_i32_0 : i32, i32
  }
  func.func @transform_3(%arg0: i32) -> (i32, i32) {
    %c0_i32 = arith.constant 0 : i32
    %c0_i32_0 = arith.constant 0 : i32
    %c0_i32_1 = arith.constant 0 : i32
    return %c0_i32, %c0_i32_0 : i32, i32
  }
  func.func @transform_4(%arg0: i32) -> (i32, i32) {
    %c0_i32 = arith.constant 0 : i32
    %c0_i32_0 = arith.constant 0 : i32
    %c0_i32_1 = arith.constant 0 : i32
    return %c0_i32, %c0_i32_0 : i32, i32
  }
  func.func @transform_5(%arg0: i32) -> (i32, i32, i32) {
    %c0_i32 = arith.constant 0 : i32
    %c0_i32_0 = arith.constant 0 : i32
    %c0_i32_1 = arith.constant 0 : i32
    return %c0_i32, %arg0, %c0_i32_0 : i32, i32, i32
  }
  func.func @transform_6(%arg0: i32) -> (i32, i32, i32) {
    %c0_i32 = arith.constant 0 : i32
    %c0_i32_0 = arith.constant 0 : i32
    %c0_i32_1 = arith.constant 0 : i32
    return %c0_i32, %arg0, %c0_i32_0 : i32, i32, i32
  }
}

module attributes {stable_mosaic.version = 14 : i64} {
  func.func @_back_body(%arg0: i32, %arg1: memref<4x400x128xf32, #tpu.memory_space<vmem>>, %arg2: memref<2x3x400x128xf32, #tpu.memory_space<vmem>>, %arg3: memref<1x1x400xi32, #tpu.memory_space<vmem>>, %arg4: memref<128x128xf32, #tpu.memory_space<vmem>>, %arg5: memref<128x128xf32, #tpu.memory_space<vmem>>, %arg6: memref<1x128xf32, #tpu.memory_space<vmem>>, %arg7: memref<128x128xf32, #tpu.memory_space<vmem>>, %arg8: memref<1x128xf32, #tpu.memory_space<vmem>>, %arg9: memref<1x128xf32, #tpu.memory_space<vmem>>, %arg10: memref<1x1xf32, #tpu.memory_space<vmem>>, %arg11: memref<128x128xf32, #tpu.memory_space<vmem>>, %arg12: memref<1x128xf32, #tpu.memory_space<vmem>>, %arg13: memref<128x128xf32, #tpu.memory_space<vmem>>, %arg14: memref<1x128xf32, #tpu.memory_space<vmem>>, %arg15: memref<16x128xf32, #tpu.memory_space<vmem>>, %arg16: memref<16x128xf32, #tpu.memory_space<vmem>>) attributes {dimension_semantics = [#tpu.dimension_semantics<arbitrary>], iteration_bounds = array<i64: 25>, scalar_prefetch = 0 : i64, scratch_operands = 1 : i64, tpu.core_type = #tpu.core_type<tc>, window_params = [{transform_indices = @transform_0, window_bounds = array<i64: 4, 400, 128>}, {transform_indices = @transform_1, window_bounds = array<i64: 2, 3, 400, 128>}, {transform_indices = @transform_2, window_bounds = array<i64: 1, 1, 400>}, {pipeline_mode = #tpu.pipeline_mode<synchronous>, transform_indices = @transform_3, window_bounds = array<i64: 128, 128>}, {pipeline_mode = #tpu.pipeline_mode<synchronous>, transform_indices = @transform_4, window_bounds = array<i64: 128, 128>}, {pipeline_mode = #tpu.pipeline_mode<synchronous>, transform_indices = @transform_5, window_bounds = array<i64: 1, 128>}, {pipeline_mode = #tpu.pipeline_mode<synchronous>, transform_indices = @transform_6, window_bounds = array<i64: 128, 128>}, {pipeline_mode = #tpu.pipeline_mode<synchronous>, transform_indices = @transform_7, window_bounds = array<i64: 1, 128>}, {pipeline_mode = #tpu.pipeline_mode<synchronous>, transform_indices = @transform_8, window_bounds = array<i64: 1, 128>}, {pipeline_mode = #tpu.pipeline_mode<synchronous>, transform_indices = @transform_9, window_bounds = array<i64: 1, 1>}, {pipeline_mode = #tpu.pipeline_mode<synchronous>, transform_indices = @transform_10, window_bounds = array<i64: 128, 128>}, {pipeline_mode = #tpu.pipeline_mode<synchronous>, transform_indices = @transform_11, window_bounds = array<i64: 1, 128>}, {pipeline_mode = #tpu.pipeline_mode<synchronous>, transform_indices = @transform_12, window_bounds = array<i64: 128, 128>}, {pipeline_mode = #tpu.pipeline_mode<synchronous>, transform_indices = @transform_13, window_bounds = array<i64: 1, 128>}, {pipeline_mode = #tpu.pipeline_mode<synchronous>, transform_indices = @transform_14, window_bounds = array<i64: 16, 128>}]} {
    %eq3A = arith.constant 0 : i32
    %eq3A_0 = arith.cmpi eq, %arg0, %eq3A : i32
    %convert_element_type3A = arith.extui %eq3A_0 : i1 to i32
    %cond3A = arith.constant 0 : i32
    %cond3A_1 = arith.cmpi ne, %convert_element_type3A, %cond3A : i32
    scf.if %cond3A_1 {
      %broadcast_in_dim3A_152 = arith.constant 0.000000e+00 : f32
      %broadcast_in_dim3A_153 = vector.broadcast %broadcast_in_dim3A_152 : f32 to vector<16x128xf32>
      %swap3A_154 = arith.constant 0 : index
      %swap3A_155 = arith.constant 0 : index
      %swap3A_156 = vector.load %arg16[%swap3A_154, %swap3A_155] : memref<16x128xf32, #tpu.memory_space<vmem>>, vector<16x128xf32>
      tpu.vector_store %arg16[%swap3A_154, %swap3A_155], %broadcast_in_dim3A_153 {strides = array<i32>} : memref<16x128xf32, #tpu.memory_space<vmem>>, vector<16x128xf32>,
    } else {
    }
    %get3A = arith.constant 0 : index
    %get3A_2 = arith.constant 0 : index
    %get3A_3 = arith.constant 0 : index
    %get3A_4 = vector.load %arg1[%get3A, %get3A_2, %get3A_3] : memref<4x400x128xf32, #tpu.memory_space<vmem>>, vector<4x400x128xf32>
    %get3A_5 = arith.constant 0 : index
    %get3A_6 = arith.constant 0 : index
    %get3A_7 = arith.constant 0 : index
    %get3A_8 = arith.constant 0 : index
    %get3A_9 = vector.load %arg2[%get3A_5, %get3A_6, %get3A_7, %get3A_8] : memref<2x3x400x128xf32, #tpu.memory_space<vmem>>, vector<1x3x400x128xf32>
    %get3A_10 = vector.shape_cast %get3A_9 : vector<1x3x400x128xf32> to vector<3x400x128xf32>
    %get3A_11 = arith.constant 1 : index
    %get3A_12 = arith.constant 0 : index
    %get3A_13 = arith.constant 0 : index
    %get3A_14 = arith.constant 0 : index
    %get3A_15 = vector.load %arg2[%get3A_11, %get3A_12, %get3A_13, %get3A_14] : memref<2x3x400x128xf32, #tpu.memory_space<vmem>>, vector<1x3x400x128xf32>
    %get3A_16 = vector.shape_cast %get3A_15 : vector<1x3x400x128xf32> to vector<3x400x128xf32>
    %add3A = arith.addf %get3A_10, %get3A_16 : vector<3x400x128xf32>
    %get3A_17 = arith.constant 0 : index
    %get3A_18 = arith.constant 0 : index
    %get3A_19 = vector.load %arg6[%get3A_17, %get3A_18] : memref<1x128xf32, #tpu.memory_space<vmem>>, vector<1x128xf32>
    %slice3A = vector.extract_strided_slice %get3A_4 {offsets = [1, 0, 0], sizes = [1, 400, 128], strides = [1, 1, 1]} : vector<4x400x128xf32> to vector<1x400x128xf32>
    %squeeze3A = vector.shape_cast %slice3A : vector<1x400x128xf32> to vector<400x128xf32>
    %slice3A_20 = vector.extract_strided_slice %get3A_4 {offsets = [0, 0, 0], sizes = [1, 400, 128], strides = [1, 1, 1]} : vector<4x400x128xf32> to vector<1x400x128xf32>
    %squeeze3A_21 = vector.shape_cast %slice3A_20 : vector<1x400x128xf32> to vector<400x128xf32>
    %sub3A = arith.subf %squeeze3A, %squeeze3A_21 : vector<400x128xf32>
    %slice3A_22 = vector.extract_strided_slice %add3A {offsets = [0, 0, 0], sizes = [1, 400, 128], strides = [1, 1, 1]} : vector<3x400x128xf32> to vector<1x400x128xf32>
    %squeeze3A_23 = vector.shape_cast %slice3A_22 : vector<1x400x128xf32> to vector<400x128xf32>
    %mul3A = arith.mulf %sub3A, %squeeze3A_23 : vector<400x128xf32>
    %slice3A_24 = vector.extract_strided_slice %get3A_4 {offsets = [0, 0, 0], sizes = [1, 400, 128], strides = [1, 1, 1]} : vector<4x400x128xf32> to vector<1x400x128xf32>
    %squeeze3A_25 = vector.shape_cast %slice3A_24 : vector<1x400x128xf32> to vector<400x128xf32>
    %get3A_26 = arith.constant 0 : index
    %get3A_27 = arith.constant 0 : index
    %get3A_28 = vector.load %arg4[%get3A_26, %get3A_27] : memref<128x128xf32, #tpu.memory_space<vmem>>, vector<128x128xf32>
    %dot_general3A = arith.constant dense<0.000000e+00> : vector<400x128xf32>
    %dot_general3A_29 = tpu.matmul %squeeze3A_25, %get3A_28, %dot_general3A {dimension_numbers = #tpu.dot_dimension_numbers<[1], [0], [0], [1], [0, 0, 1, 1], [], []>, transpose_lhs_hint = false} : vector<400x128xf32>, vector<128x128xf32>, vector<400x128xf32> -> vector<400x128xf32>
    %get3A_30 = arith.constant 0 : index
    %get3A_31 = arith.constant 0 : index
    %get3A_32 = vector.load %arg5[%get3A_30, %get3A_31] : memref<128x128xf32, #tpu.memory_space<vmem>>, vector<128x128xf32>
    %dot_general3A_33 = arith.constant dense<0.000000e+00> : vector<400x128xf32>
    %dot_general3A_34 = tpu.matmul %mul3A, %get3A_32, %dot_general3A_33 {dimension_numbers = #tpu.dot_dimension_numbers<[1], [0], [0], [1], [0, 0, 1, 1], [], []>, transpose_lhs_hint = false} : vector<400x128xf32>, vector<128x128xf32>, vector<400x128xf32> -> vector<400x128xf32>
    %add3A_35 = arith.addf %dot_general3A_29, %dot_general3A_34 : vector<400x128xf32>
    %add3A_36 = vector.broadcast %get3A_19 : vector<1x128xf32> to vector<400x128xf32>
    %add3A_37 = arith.addf %add3A_35, %add3A_36 : vector<400x128xf32>
    %max3A = arith.constant 0.000000e+00 : f32
    %max3A_38 = vector.broadcast %max3A : f32 to vector<400x128xf32>
    %max3A_39 = arith.maximumf %add3A_37, %max3A_38 : vector<400x128xf32>
    %slice3A_40 = vector.extract_strided_slice %get3A_4 {offsets = [2, 0, 0], sizes = [1, 400, 128], strides = [1, 1, 1]} : vector<4x400x128xf32> to vector<1x400x128xf32>
    %squeeze3A_41 = vector.shape_cast %slice3A_40 : vector<1x400x128xf32> to vector<400x128xf32>
    %slice3A_42 = vector.extract_strided_slice %get3A_4 {offsets = [1, 0, 0], sizes = [1, 400, 128], strides = [1, 1, 1]} : vector<4x400x128xf32> to vector<1x400x128xf32>
    %squeeze3A_43 = vector.shape_cast %slice3A_42 : vector<1x400x128xf32> to vector<400x128xf32>
    %sub3A_44 = arith.subf %squeeze3A_41, %squeeze3A_43 : vector<400x128xf32>
    %slice3A_45 = vector.extract_strided_slice %add3A {offsets = [1, 0, 0], sizes = [1, 400, 128], strides = [1, 1, 1]} : vector<3x400x128xf32> to vector<1x400x128xf32>
    %squeeze3A_46 = vector.shape_cast %slice3A_45 : vector<1x400x128xf32> to vector<400x128xf32>
    %mul3A_47 = arith.mulf %sub3A_44, %squeeze3A_46 : vector<400x128xf32>
    %slice3A_48 = vector.extract_strided_slice %get3A_4 {offsets = [1, 0, 0], sizes = [1, 400, 128], strides = [1, 1, 1]} : vector<4x400x128xf32> to vector<1x400x128xf32>
    %squeeze3A_49 = vector.shape_cast %slice3A_48 : vector<1x400x128xf32> to vector<400x128xf32>
    %get3A_50 = arith.constant 0 : index
    %get3A_51 = arith.constant 0 : index
    %get3A_52 = vector.load %arg4[%get3A_50, %get3A_51] : memref<128x128xf32, #tpu.memory_space<vmem>>, vector<128x128xf32>
    %dot_general3A_53 = arith.constant dense<0.000000e+00> : vector<400x128xf32>
    %dot_general3A_54 = tpu.matmul %squeeze3A_49, %get3A_52, %dot_general3A_53 {dimension_numbers = #tpu.dot_dimension_numbers<[1], [0], [0], [1], [0, 0, 1, 1], [], []>, transpose_lhs_hint = false} : vector<400x128xf32>, vector<128x128xf32>, vector<400x128xf32> -> vector<400x128xf32>
    %get3A_55 = arith.constant 0 : index
    %get3A_56 = arith.constant 0 : index
    %get3A_57 = vector.load %arg5[%get3A_55, %get3A_56] : memref<128x128xf32, #tpu.memory_space<vmem>>, vector<128x128xf32>
    %dot_general3A_58 = arith.constant dense<0.000000e+00> : vector<400x128xf32>
    %dot_general3A_59 = tpu.matmul %mul3A_47, %get3A_57, %dot_general3A_58 {dimension_numbers = #tpu.dot_dimension_numbers<[1], [0], [0], [1], [0, 0, 1, 1], [], []>, transpose_lhs_hint = false} : vector<400x128xf32>, vector<128x128xf32>, vector<400x128xf32> -> vector<400x128xf32>
    %add3A_60 = arith.addf %dot_general3A_54, %dot_general3A_59 : vector<400x128xf32>
    %add3A_61 = vector.broadcast %get3A_19 : vector<1x128xf32> to vector<400x128xf32>
    %add3A_62 = arith.addf %add3A_60, %add3A_61 : vector<400x128xf32>
    %max3A_63 = arith.constant 0.000000e+00 : f32
    %max3A_64 = vector.broadcast %max3A_63 : f32 to vector<400x128xf32>
    %max3A_65 = arith.maximumf %add3A_62, %max3A_64 : vector<400x128xf32>
    %add3A_66 = arith.addf %max3A_39, %max3A_65 : vector<400x128xf32>
    %slice3A_67 = vector.extract_strided_slice %get3A_4 {offsets = [3, 0, 0], sizes = [1, 400, 128], strides = [1, 1, 1]} : vector<4x400x128xf32> to vector<1x400x128xf32>
    %squeeze3A_68 = vector.shape_cast %slice3A_67 : vector<1x400x128xf32> to vector<400x128xf32>
    %slice3A_69 = vector.extract_strided_slice %get3A_4 {offsets = [2, 0, 0], sizes = [1, 400, 128], strides = [1, 1, 1]} : vector<4x400x128xf32> to vector<1x400x128xf32>
    %squeeze3A_70 = vector.shape_cast %slice3A_69 : vector<1x400x128xf32> to vector<400x128xf32>
    %sub3A_71 = arith.subf %squeeze3A_68, %squeeze3A_70 : vector<400x128xf32>
    %slice3A_72 = vector.extract_strided_slice %add3A {offsets = [2, 0, 0], sizes = [1, 400, 128], strides = [1, 1, 1]} : vector<3x400x128xf32> to vector<1x400x128xf32>
    %squeeze3A_73 = vector.shape_cast %slice3A_72 : vector<1x400x128xf32> to vector<400x128xf32>
    %mul3A_74 = arith.mulf %sub3A_71, %squeeze3A_73 : vector<400x128xf32>
    %slice3A_75 = vector.extract_strided_slice %get3A_4 {offsets = [2, 0, 0], sizes = [1, 400, 128], strides = [1, 1, 1]} : vector<4x400x128xf32> to vector<1x400x128xf32>
    %squeeze3A_76 = vector.shape_cast %slice3A_75 : vector<1x400x128xf32> to vector<400x128xf32>
    %get3A_77 = arith.constant 0 : index
    %get3A_78 = arith.constant 0 : index
    %get3A_79 = vector.load %arg4[%get3A_77, %get3A_78] : memref<128x128xf32, #tpu.memory_space<vmem>>, vector<128x128xf32>
    %dot_general3A_80 = arith.constant dense<0.000000e+00> : vector<400x128xf32>
    %dot_general3A_81 = tpu.matmul %squeeze3A_76, %get3A_79, %dot_general3A_80 {dimension_numbers = #tpu.dot_dimension_numbers<[1], [0], [0], [1], [0, 0, 1, 1], [], []>, transpose_lhs_hint = false} : vector<400x128xf32>, vector<128x128xf32>, vector<400x128xf32> -> vector<400x128xf32>
    %get3A_82 = arith.constant 0 : index
    %get3A_83 = arith.constant 0 : index
    %get3A_84 = vector.load %arg5[%get3A_82, %get3A_83] : memref<128x128xf32, #tpu.memory_space<vmem>>, vector<128x128xf32>
    %dot_general3A_85 = arith.constant dense<0.000000e+00> : vector<400x128xf32>
    %dot_general3A_86 = tpu.matmul %mul3A_74, %get3A_84, %dot_general3A_85 {dimension_numbers = #tpu.dot_dimension_numbers<[1], [0], [0], [1], [0, 0, 1, 1], [], []>, transpose_lhs_hint = false} : vector<400x128xf32>, vector<128x128xf32>, vector<400x128xf32> -> vector<400x128xf32>
    %add3A_87 = arith.addf %dot_general3A_81, %dot_general3A_86 : vector<400x128xf32>
    %add3A_88 = vector.broadcast %get3A_19 : vector<1x128xf32> to vector<400x128xf32>
    %add3A_89 = arith.addf %add3A_87, %add3A_88 : vector<400x128xf32>
    %max3A_90 = arith.constant 0.000000e+00 : f32
    %max3A_91 = vector.broadcast %max3A_90 : f32 to vector<400x128xf32>
    %max3A_92 = arith.maximumf %add3A_89, %max3A_91 : vector<400x128xf32>
    %add3A_93 = arith.addf %add3A_66, %max3A_92 : vector<400x128xf32>
    %mul3A_94 = arith.constant 0.333333343 : f32
    %mul3A_95 = vector.broadcast %mul3A_94 : f32 to vector<400x128xf32>
    %mul3A_96 = arith.mulf %add3A_93, %mul3A_95 : vector<400x128xf32>
    %get3A_97 = arith.constant 0 : index
    %get3A_98 = arith.constant 0 : index
    %get3A_99 = vector.load %arg7[%get3A_97, %get3A_98] : memref<128x128xf32, #tpu.memory_space<vmem>>, vector<128x128xf32>
    %dot_general3A_100 = arith.constant dense<0.000000e+00> : vector<400x128xf32>
    %dot_general3A_101 = tpu.matmul %mul3A_96, %get3A_99, %dot_general3A_100 {dimension_numbers = #tpu.dot_dimension_numbers<[1], [0], [0], [1], [0, 0, 1, 1], [], []>, transpose_lhs_hint = false} : vector<400x128xf32>, vector<128x128xf32>, vector<400x128xf32> -> vector<400x128xf32>
    %get3A_102 = arith.constant 0 : index
    %get3A_103 = arith.constant 0 : index
    %get3A_104 = vector.load %arg8[%get3A_102, %get3A_103] : memref<1x128xf32, #tpu.memory_space<vmem>>, vector<1x128xf32>
    %add3A_105 = vector.broadcast %get3A_104 : vector<1x128xf32> to vector<400x128xf32>
    %add3A_106 = arith.addf %dot_general3A_101, %add3A_105 : vector<400x128xf32>
    %max3A_107 = arith.constant 0.000000e+00 : f32
    %max3A_108 = vector.broadcast %max3A_107 : f32 to vector<400x128xf32>
    %max3A_109 = arith.maximumf %add3A_106, %max3A_108 : vector<400x128xf32>
    %get3A_110 = arith.constant 0 : index
    %get3A_111 = arith.constant 0 : index
    %get3A_112 = vector.load %arg9[%get3A_110, %get3A_111] : memref<1x128xf32, #tpu.memory_space<vmem>>, vector<1x128xf32>
    %mul3A_113 = vector.broadcast %get3A_112 : vector<1x128xf32> to vector<400x128xf32>
    %mul3A_114 = arith.mulf %max3A_109, %mul3A_113 : vector<400x128xf32>
    %reduce_sum3A = arith.constant dense<0.000000e+00> : vector<400xf32>
    %reduce_sum3A_115 = vector.multi_reduction <add>, %mul3A_114, %reduce_sum3A [1] : vector<400x128xf32> to vector<400xf32>
    %broadcast_in_dim3A = vector.shape_cast %reduce_sum3A_115 : vector<400xf32> to vector<400x1xf32>
    %get3A_116 = arith.constant 0 : index
    %get3A_117 = arith.constant 0 : index
    %get3A_118 = vector.load %arg10[%get3A_116, %get3A_117] : memref<1x1xf32, #tpu.memory_space<vmem>>, vector<1x1xf32>
    %get3A_119 = vector.extract %get3A_118[0, 0] : f32 from vector<1x1xf32>
    %add3A_120 = vector.broadcast %get3A_119 : f32 to vector<400x1xf32>
    %add3A_121 = arith.addf %broadcast_in_dim3A, %add3A_120 : vector<400x1xf32>
    %logistic3A = arith.negf %add3A_121 : vector<400x1xf32>
    %logistic3A_122 = math.exp %logistic3A : vector<400x1xf32>
    %logistic3A_123 = arith.constant 1.000000e+00 : f32
    %logistic3A_124 = vector.broadcast %logistic3A_123 : f32 to vector<400x1xf32>
    %logistic3A_125 = arith.addf %logistic3A_124, %logistic3A_122 : vector<400x1xf32>
    %logistic3A_126 = arith.divf %logistic3A_124, %logistic3A_125 : vector<400x1xf32>
    %mul3A_127 = vector.broadcast %logistic3A_126 : vector<400x1xf32> to vector<400x128xf32>
    %mul3A_128 = arith.mulf %mul3A_127, %mul3A_96 : vector<400x128xf32>
    %get3A_129 = arith.constant 0 : index
    %get3A_130 = arith.constant 0 : index
    %get3A_131 = arith.constant 0 : index
    %get3A_132 = vector.load %arg3[%get3A_129, %get3A_130, %get3A_131] : memref<1x1x400xi32, #tpu.memory_space<vmem>>, vector<1x1x400xi32>
    %get3A_133 = vector.shape_cast %get3A_132 : vector<1x1x400xi32> to vector<400xi32>
    %iota3A = tpu.iota {dimensions = array<i32: 0>} : vector<16x400xi32>
    %broadcast_in_dim3A_134 = vector.shape_cast %get3A_133 : vector<400xi32> to vector<1x400xi32>
    %eq3A_135 = vector.broadcast %broadcast_in_dim3A_134 : vector<1x400xi32> to vector<16x400xi32>
    %eq3A_136 = arith.cmpi eq, %iota3A, %eq3A_135 : vector<16x400xi32>
    %convert_element_type3A_137 = arith.extui %eq3A_136 : vector<16x400xi1> to vector<16x400xi32>
    %convert_element_type3A_138 = arith.sitofp %convert_element_type3A_137 : vector<16x400xi32> to vector<16x400xf32>
    %get3A_139 = arith.constant 0 : index
    %get3A_140 = arith.constant 0 : index
    %get3A_141 = vector.load %arg16[%get3A_139, %get3A_140] : memref<16x128xf32, #tpu.memory_space<vmem>>, vector<16x128xf32>
    %dot_general3A_142 = arith.constant dense<0.000000e+00> : vector<16x128xf32>
    %dot_general3A_143 = tpu.matmul %convert_element_type3A_138, %mul3A_128, %dot_general3A_142 {dimension_numbers = #tpu.dot_dimension_numbers<[1], [0], [0], [1], [0, 0, 1, 1], [], []>, transpose_lhs_hint = false} : vector<16x400xf32>, vector<400x128xf32>, vector<16x128xf32> -> vector<16x128xf32>
    %add3A_144 = arith.addf %get3A_141, %dot_general3A_143 : vector<16x128xf32>
    %swap3A = arith.constant 0 : index
    %swap3A_145 = arith.constant 0 : index
    %swap3A_146 = vector.load %arg16[%swap3A, %swap3A_145] : memref<16x128xf32, #tpu.memory_space<vmem>>, vector<16x128xf32>
    tpu.vector_store %arg16[%swap3A, %swap3A_145], %add3A_144 {strides = array<i32>} : memref<16x128xf32, #tpu.memory_space<vmem>>, vector<16x128xf32>,
    %eq3A_147 = arith.constant 24 : i32
    %eq3A_148 = arith.cmpi eq, %arg0, %eq3A_147 : i32
    %convert_element_type3A_149 = arith.extui %eq3A_148 : i1 to i32
    %cond3A_150 = arith.constant 0 : i32
    %cond3A_151 = arith.cmpi ne, %convert_element_type3A_149, %cond3A_150 : i32
    scf.if %cond3A_151 {
      %get3A_152 = arith.constant 0 : index
      %get3A_153 = arith.constant 0 : index
      %get3A_154 = vector.load %arg16[%get3A_152, %get3A_153] : memref<16x128xf32, #tpu.memory_space<vmem>>, vector<16x128xf32>
      %get3A_155 = arith.constant 0 : index
      %get3A_156 = arith.constant 0 : index
      %get3A_157 = vector.load %arg11[%get3A_155, %get3A_156] : memref<128x128xf32, #tpu.memory_space<vmem>>, vector<128x128xf32>
      %dot_general3A_158 = arith.constant dense<0.000000e+00> : vector<16x128xf32>
      %dot_general3A_159 = tpu.matmul %get3A_154, %get3A_157, %dot_general3A_158 {dimension_numbers = #tpu.dot_dimension_numbers<[1], [0], [0], [1], [0, 0, 1, 1], [], []>, transpose_lhs_hint = false} : vector<16x128xf32>, vector<128x128xf32>, vector<16x128xf32> -> vector<16x128xf32>
      %get3A_160 = arith.constant 0 : index
      %get3A_161 = arith.constant 0 : index
      %get3A_162 = vector.load %arg12[%get3A_160, %get3A_161] : memref<1x128xf32, #tpu.memory_space<vmem>>, vector<1x128xf32>
      %add3A_163 = vector.broadcast %get3A_162 : vector<1x128xf32> to vector<16x128xf32>
      %add3A_164 = arith.addf %dot_general3A_159, %add3A_163 : vector<16x128xf32>
      %max3A_165 = arith.constant 0.000000e+00 : f32
      %max3A_166 = vector.broadcast %max3A_165 : f32 to vector<16x128xf32>
      %max3A_167 = arith.maximumf %add3A_164, %max3A_166 : vector<16x128xf32>
      %get3A_168 = arith.constant 0 : index
      %get3A_169 = arith.constant 0 : index
      %get3A_170 = vector.load %arg13[%get3A_168, %get3A_169] : memref<128x128xf32, #tpu.memory_space<vmem>>, vector<128x128xf32>
      %dot_general3A_171 = arith.constant dense<0.000000e+00> : vector<16x128xf32>
      %dot_general3A_172 = tpu.matmul %max3A_167, %get3A_170, %dot_general3A_171 {dimension_numbers = #tpu.dot_dimension_numbers<[1], [0], [0], [1], [0, 0, 1, 1], [], []>, transpose_lhs_hint = false} : vector<16x128xf32>, vector<128x128xf32>, vector<16x128xf32> -> vector<16x128xf32>
      %get3A_173 = arith.constant 0 : index
      %get3A_174 = arith.constant 0 : index
      %get3A_175 = vector.load %arg14[%get3A_173, %get3A_174] : memref<1x128xf32, #tpu.memory_space<vmem>>, vector<1x128xf32>
      %add3A_176 = vector.broadcast %get3A_175 : vector<1x128xf32> to vector<16x128xf32>
      %add3A_177 = arith.addf %dot_general3A_172, %add3A_176 : vector<16x128xf32>
      %swap3A_178 = arith.constant 0 : index
      %swap3A_179 = arith.constant 0 : index
      %swap3A_180 = vector.load %arg15[%swap3A_178, %swap3A_179] : memref<16x128xf32, #tpu.memory_space<vmem>>, vector<16x128xf32>
      tpu.vector_store %arg15[%swap3A_178, %swap3A_179], %add3A_177 {strides = array<i32>} : memref<16x128xf32, #tpu.memory_space<vmem>>, vector<16x128xf32>,
    } else {
    }
    return
  }
  func.func @transform_0(%arg0: i32) -> (i32, i32, i32) {
    %c0_i32 = arith.constant 0 : i32
    %c0_i32_0 = arith.constant 0 : i32
    %c0_i32_1 = arith.constant 0 : i32
    return %c0_i32, %arg0, %c0_i32_0 : i32, i32, i32
  }
  func.func @transform_1(%arg0: i32) -> (i32, i32, i32, i32) {
    %c0_i32 = arith.constant 0 : i32
    %c0_i32_0 = arith.constant 0 : i32
    %c0_i32_1 = arith.constant 0 : i32
    %c0_i32_2 = arith.constant 0 : i32
    return %c0_i32, %c0_i32_0, %arg0, %c0_i32_1 : i32, i32, i32, i32
  }
  func.func @transform_2(%arg0: i32) -> (i32, i32, i32) {
    %c0_i32 = arith.constant 0 : i32
    %c0_i32_0 = arith.constant 0 : i32
    %c0_i32_1 = arith.constant 0 : i32
    return %arg0, %c0_i32, %c0_i32_0 : i32, i32, i32
  }
  func.func @transform_3(%arg0: i32) -> (i32, i32) {
    %c0_i32 = arith.constant 0 : i32
    %c0_i32_0 = arith.constant 0 : i32
    %c0_i32_1 = arith.constant 0 : i32
    return %c0_i32, %c0_i32_0 : i32, i32
  }
  func.func @transform_4(%arg0: i32) -> (i32, i32) {
    %c0_i32 = arith.constant 0 : i32
    %c0_i32_0 = arith.constant 0 : i32
    %c0_i32_1 = arith.constant 0 : i32
    return %c0_i32, %c0_i32_0 : i32, i32
  }
  func.func @transform_5(%arg0: i32) -> (i32, i32) {
    %c0_i32 = arith.constant 0 : i32
    %c0_i32_0 = arith.constant 0 : i32
    %c0_i32_1 = arith.constant 0 : i32
    return %c0_i32, %c0_i32_0 : i32, i32
  }
  func.func @transform_6(%arg0: i32) -> (i32, i32) {
    %c0_i32 = arith.constant 0 : i32
    %c0_i32_0 = arith.constant 0 : i32
    %c0_i32_1 = arith.constant 0 : i32
    return %c0_i32, %c0_i32_0 : i32, i32
  }
  func.func @transform_7(%arg0: i32) -> (i32, i32) {
    %c0_i32 = arith.constant 0 : i32
    %c0_i32_0 = arith.constant 0 : i32
    %c0_i32_1 = arith.constant 0 : i32
    return %c0_i32, %c0_i32_0 : i32, i32
  }
  func.func @transform_8(%arg0: i32) -> (i32, i32) {
    %c0_i32 = arith.constant 0 : i32
    %c0_i32_0 = arith.constant 0 : i32
    %c0_i32_1 = arith.constant 0 : i32
    return %c0_i32, %c0_i32_0 : i32, i32
  }
  func.func @transform_9(%arg0: i32) -> (i32, i32) {
    %c0_i32 = arith.constant 0 : i32
    %c0_i32_0 = arith.constant 0 : i32
    %c0_i32_1 = arith.constant 0 : i32
    return %c0_i32, %c0_i32_0 : i32, i32
  }
  func.func @transform_10(%arg0: i32) -> (i32, i32) {
    %c0_i32 = arith.constant 0 : i32
    %c0_i32_0 = arith.constant 0 : i32
    %c0_i32_1 = arith.constant 0 : i32
    return %c0_i32, %c0_i32_0 : i32, i32
  }
  func.func @transform_11(%arg0: i32) -> (i32, i32) {
    %c0_i32 = arith.constant 0 : i32
    %c0_i32_0 = arith.constant 0 : i32
    %c0_i32_1 = arith.constant 0 : i32
    return %c0_i32, %c0_i32_0 : i32, i32
  }
  func.func @transform_12(%arg0: i32) -> (i32, i32) {
    %c0_i32 = arith.constant 0 : i32
    %c0_i32_0 = arith.constant 0 : i32
    %c0_i32_1 = arith.constant 0 : i32
    return %c0_i32, %c0_i32_0 : i32, i32
  }
  func.func @transform_13(%arg0: i32) -> (i32, i32) {
    %c0_i32 = arith.constant 0 : i32
    %c0_i32_0 = arith.constant 0 : i32
    %c0_i32_1 = arith.constant 0 : i32
    return %c0_i32, %c0_i32_0 : i32, i32
  }
  func.func @transform_14(%arg0: i32) -> (i32, i32) {
    %c0_i32 = arith.constant 0 : i32
    %c0_i32_0 = arith.constant 0 : i32
    %c0_i32_1 = arith.constant 0 : i32
    return %c0_i32, %c0_i32_0 : i32, i32
  }
}

</mosaic_0001>

<sc_bundles>
// kernel: kernel.5.cloned.1.call-start
scs
__scs_entry_jumppad:
0x0: {  	(pc) =	sbr.rel $0x88, $3  }
0x1: {  	(tag) =	ssettag $0x0;
	lr =	simm.s32 $0x1  }
0x2: {  	[smem:$0x3F90] =	sst lr;
	_ =	strace $0xD0000000  }
0x3: {  	_ = 	snop  }
0x4: {  	_ = 	snop  }
0x5: {  	_ = 	snop  }
0x6: {  	_ = 	snop  }
0x7: {  	_ = 	snop  }
__scs_overlays_trampoline_lowered:
0x8: {  	[smem:$0x3F9F] =	sst s0  }
0x9: {  	[smem:$0x3FA0] =	sst s1  }
0xa: {  	[smem:$0x3FA1] =	sst s2  }
0xb: {  	[smem:$0x3FA2] =	sst s3  }
0xc: {  	[smem:$0x3FA3] =	sst s4  }
0xd: {  	[smem:$0x3FA4] =	sst s5  }
0xe: {  	[smem:$0x3FA5] =	sst s6  }
0xf: {  	[smem:$0x3FA6] =	sst s7  }
0x10: {  	[smem:$0x3FA7] =	sst s8  }
0x11: {  	[smem:$0x3FA8] =	sst s9;
	s0 =	simm.s32 @!p0 $0x0  }
0x12: {  	s1 =	sld [smem:$0x3F8E];
	s0 =	simm.s32 @p0 $0x1  }
0x13: {  	[smem:$0x3FA9] =	sst s0;
	s0 =	simm.s32 @!p1 $0x0  }
0x14: {  	s2 =	sld [smem:$0x3F8D];
	s0 =	simm.s32 @p1 $0x1  }
0x15: {  	[smem:$0x3FAA] =	sst s0;
	s0 =	simm.s32 @!p2 $0x0  }
0x16: {  	s3 =	sld [smem:$0x3FDB];
	s0 =	simm.s32 @p2 $0x1  }
0x17: {  	s4 =	simm.s32 $0x1BF5;
	[smem:$0x3FAC] =	sst s0  }
0x18: {  	s0 =	sld [smem:$0x3F8F];
	_ =	swait.ge [sflag:s4], $0x0  }
0x19: {  	s7 =	sld [smem:$0x3F90]  }
0x1a: {  	s8 =	sadd.s32 $0xFFFFE003, lr  }
0x1b: {  	s9 =	sadd.s32 $0xFFFFFEF7, lr;
	s5 =	simm.s32 $0xFFFFFFFF;
	p2 =	slt.u32 s8, $0xFFFFF086  }
0x1c: {  	p1 =	slt.u32 s9, $0xF7A;
	s5 =	simm.s32 @!p2 $0x0  }
0x1d: {  	s5 =	simm.s32 @p1 $0x1;
	p0 =	seq.s32 s7, s2  }
0x1e: {  	s7 =	smul.u32 @!p0 $0xF7A, s2;
	p2 =	seq.s32 @!p0 s5, $0x0  }
0x1f: {  	s9 =	smul.u32 $0xF7A, s1;
	s8 =	simm.s32 @!p0 $0x1BF5;
	p2 =	por !p2, p0  }
0x20: {  	[sflag:s8] =	ssyncset.s32 @!p0 $0xFFFFF086;
	s6 =	sadd.s32 @!p0 s3, s7;
	s7 =	simm.s32 @!p0 $0x108  }
0x21: {  	s3 =	sadd.s32 s3, s9;
	s6 =	sadd.s32 @!p0 $0x88, s6;
	s7 =	simm.s32 @p2 $0x1082  }
0x22: {  	[simem:s7], [sflag:s8] =	dma.local @!p0 [hbm:s6], $0xF7A  }
0x23: {  	s9 =	sor.u32 $0xD0000000, s2;
	s6 =	simm.s32 $0x108;
	_ =	swait.ge @!p0 [sflag:s8], $0x0  }
0x24: {  	s3 =	sadd.s32 $0x88, s3;
	s6 =	simm.s32 @!p1 $0x1082;
	[sflag:s4] =	ssyncset.s32 $0xFFFFF086  }
0x25: {  	[simem:s6], [sflag:s4] =	dma.local [hbm:s3], $0xF7A  }
0x26: {  	[smem:$0x3F90] =	sst s1;
	(tag) =	ssettag s2;
	_ =	strace s9  }
0x27: {  	s1 =	sld [smem:$0x3FA0]  }
0x28: {  	s2 =	sld [smem:$0x3FA1]  }
0x29: {  	s4 =	sld [smem:$0x3FA3]  }
0x2a: {  	p0 =	seq.s32 s5, $0x0;
	s5 =	sld [smem:$0x3FA4]  }
0x2b: {  	s6 =	sld [smem:$0x3FA5]  }
0x2c: {  	s7 =	sld [smem:$0x3FA6]  }
0x2d: {  	s3 =	simm.s32 $0x108;
	s8 =	sld [smem:$0x3FA7]  }
0x2e: {  	s3 =	simm.s32 @!p0 $0x1082;
	s9 =	sld [smem:$0x3FA8]  }
0x2f: {  	lr =	sadd.s32 s0, s3;
	s0 =	sld [smem:$0x3F9F]  }
0x30: {  	s3 =	sld [smem:$0x3FA2]  }
0x31: {  	[smem:$0x3FAB] =	sst s10  }
0x32: {  	s10 =	sld [smem:$0x3FA9];
	_ =	sdelay $0x3  }
0x33: {  	p0 =	seq.s32 s10, $0x1;
	s10 =	sld [smem:$0x3FAB];
	_ =	sdelay $0x3  }
0x34: {  	[smem:$0x3FAB] =	sst s10  }
0x35: {  	s10 =	sld [smem:$0x3FAA];
	_ =	sdelay $0x3  }
0x36: {  	p1 =	seq.s32 s10, $0x1;
	s10 =	sld [smem:$0x3FAB];
	_ =	sdelay $0x3  }
0x37: {  	[smem:$0x3FAB] =	sst s10  }
0x38: {  	s10 =	sld [smem:$0x3FAC]  }
0x39: {  	_ = 	snop;
	(pc) =	sbr.ind lr, $3  }
0x3a: {  	_ = 	snop  }
0x3b: {  	_ = 	snop  }
0x3c: {  	p2 =	seq.s32 s10, $0x1;
	s10 =	sld [smem:$0x3FAB]  }
0x3d: {  	_ =	shalt  }
0x3e: {  	_ =	shalt  }
0x3f: {  	_ =	shalt  }
0x40: {  	_ =	shalt  }
0x41: {  	_ =	shalt  }
0x42: {  	_ =	shalt  }
0x43: {  	_ =	shalt  }
0x44: {  	_ =	shalt  }
0x45: {  	_ =	shalt  }
0x46: {  	_ =	shalt  }
0x47: {  	_ =	shalt  }
0x48: {  	_ =	shalt  }
0x49: {  	_ =	shalt  }
0x4a: {  	_ =	shalt  }
0x4b: {  	_ =	shalt  }
0x4c: {  	_ =	shalt  }
0x4d: {  	_ =	shalt  }
0x4e: {  	_ =	shalt  }
0x4f: {  	_ =	shalt  }
0x50: {  	_ =	shalt  }
0x51: {  	_ =	shalt  }
0x52: {  	_ =	shalt  }
0x53: {  	_ =	shalt  }
0x54: {  	_ =	shalt  }
0x55: {  	_ =	shalt  }
0x56: {  	_ =	shalt  }
0x57: {  	_ =	shalt  }
0x58: {  	_ =	shalt  }
0x59: {  	_ =	shalt  }
0x5a: {  	_ =	shalt  }
0x5b: {  	_ =	shalt  }
0x5c: {  	_ =	shalt  }
0x5d: {  	_ =	shalt  }
0x5e: {  	_ =	shalt  }
0x5f: {  	_ =	shalt  }
0x60: {  	_ =	shalt  }
0x61: {  	_ =	shalt  }
0x62: {  	_ =	shalt  }
0x63: {  	_ =	shalt  }
0x64: {  	_ =	shalt  }
0x65: {  	_ =	shalt  }
0x66: {  	_ =	shalt  }
0x67: {  	_ =	shalt  }
0x68: {  	_ =	shalt  }
0x69: {  	_ =	shalt  }
0x6a: {  	_ =	shalt  }
0x6b: {  	_ =	shalt  }
0x6c: {  	_ =	shalt  }
0x6d: {  	_ =	shalt  }
0x6e: {  	_ =	shalt  }
0x6f: {  	_ =	shalt  }
0x70: {  	_ =	shalt  }
0x71: {  	_ =	shalt  }
0x72: {  	_ =	shalt  }
0x73: {  	_ =	shalt  }
0x74: {  	_ =	shalt  }
0x75: {  	_ =	shalt  }
0x76: {  	_ =	shalt  }
0x77: {  	_ =	shalt  }
0x78: {  	_ =	shalt  }
0x79: {  	_ =	shalt  }
0x7a: {  	_ =	shalt  }
0x7b: {  	_ =	shalt  }
0x7c: {  	_ =	shalt  }
0x7d: {  	_ =	shalt  }
0x7e: {  	_ =	shalt  }
0x7f: {  	_ =	shalt  }
0x80: {  	_ =	shalt  }
0x81: {  	_ =	shalt  }
0x82: {  	_ =	shalt  }
0x83: {  	_ =	shalt  }
0x84: {  	_ =	shalt  }
0x85: {  	_ =	shalt  }
0x86: {  	_ =	shalt  }
0x87: {  	_ =	shalt  }
.Lfunc_end0:
.L_simem_size_0:
called_computation_lowered:
.L_overlay_start_0:
0x88: {  	s2 =	sld [smem:$0x3FD9]  }
0x89: {  	s3 =	sld [smem:$0x3FFE];
	_ =	sdelay $0x1  }
0x8a: {  	s1 =	srdreg.scid  }
0x8b: {  	s0 =	sand.u32 $0x1, s1  }
0x8c: {  	s16 =	sshll.u32 s0, $0xA;
	s2 =	sadd.s32 s3, s2  }
0x8d: {  	s2 =	sadd.s32 s2, s16  }
0x8e: {  	[smem:$0x3FB7] =	sst s2  }
0x8f: {  	_ = 	snop  }
0x90: {  	(tm) =	ssettm $0x1  }
0x91: {  	s17 =	sld [smem:$0x3FFB];
	_ =	sdelay $0x3  }
0x92: {  	_ =	strace s17  }
0x93: {  	s2 =	sld [smem:$0x3FFC];
	_ =	sdelay $0x3  }
0x94: {  	_ =	strace s2  }
0x95: {  	s2 =	sld [smem:$0x3FFD];
	_ =	sdelay $0x3  }
0x96: {  	_ =	strace s2  }
0x97: {  	_ =	strace $0x8FFFFFFF  }
0x98: {  	s18 =	sld [smem:$0x3FDB];
	_ =	sdelay $0x1  }
0x99: {  	s19 =	simm.s32 $_scs_section_size  }
0x9a: {  	s4 =	simm.s32 $_size__tile_overlayer_lowered;
	s5 =	simm.s32 $_tile_overlayer_lowered  }
0x9b: {  	s22 =	simm.s32 $0x1BFF;
	s21 =	sshll.u32 s5, $0x1;
	s2 =	sadd.s32 s19, s18  }
0x9c: {  	s6 =	simm.s32 $0x0;
	s20 =	sshll.u32 s4, $0x1;
	s4 =	sadd.s32 s21, s2  }
0x9d: {  	[timem:s6], [sflag:s22] =	dma.local [hbm:s4], s20  }
0x9e: {  	_ =	swait.ge [sflag:s22], s20  }
0x9f: {  	s3 =	ssub.s32 $0x0, s20;
	[sflag:s22] =	ssyncset.done $0x0  }
0xa0: {  	[sflag:s22] =	ssyncadd.s32 s3;
	_ =	sdelay $0x1  }
0xa1: {  	s23 =	simm.s32 $0x1B8B  }
0xa2: {  	_ =	swait.ge [sflag:s23], $0x1  }
0xa3: {  	[sflag:s23] =	ssyncset.done $0x0  }
0xa4: {  	s25 =	simm.s32 $0x1B8E;
	s24 =	sld [smem:$0x3FFE];
	[sflag:s23] =	ssyncadd.s32 $0xFFFFFFFF  }
0xa5: {  	s26 =	simm.s32 $execute0_lowered;
	[smem:$0x3FD2] =	sst s25  }
0xa6: {  	s4 =	sshll.u32 s26, $0x1;
	_ =	strace $0x80000046;
	[dreg:$0x1] =	wrdreg $0xFFFFFFFF  }
0xa7: {  	s28 =	simm.s32 $_size_execute0_lowered;
	s2 =	sadd.s32 s2, s4;
	[dreg:$0x0] =	wrdreg $0x0  }
0xa8: {  	s4 =	sshll.u32 s28, $0x1;
	[dreg:$0x2] =	wrdreg s2  }
0xa9: {  	[dreg:$0x3] =	wrdreg s4  }
0xaa: {  	[dreg:$0x4] =	wrdreg $0xC0  }
0xab: {  	_ =	task [dreg:s6], $0x5FFFF  }
0xac: {  	[dreg:$0x1] =	wrdreg $0xFFFFFFFF  }
0xad: {  	[dreg:$0x0] =	wrdreg $0x60  }
0xae: {  	[dreg:$0x2] =	wrdreg s24  }
0xaf: {  	[dreg:$0x3] =	wrdreg $0x41000  }
0xb0: {  	[dreg:$0x4] =	wrdreg $0x9  }
0xb1: {  	_ =	task.clear_ibuf [dreg:s6], $0x5FFFF;
	_ =	strace $0x90000046  }
0xb2: {  	s29 =	simm.s32 $0x9;
	_ =	strace $0x80000048  }
0xb3: {  	_ =	swait.ge [sflag:s29], $0x1  }
0xb4: {  	[sflag:s29] =	ssyncadd.s32 $0xFFFFFFFF  }
0xb5: {  	_ =	strace $0x90000048  }
0xb6: {  	_ =	sfence  }
0xb7: {  	s30 =	sld [smem:$0x0];
	_ =	sdelay $0x2  }
0xb8: {  	s31 =	sshll.u32 s1, $0xD;
	s1 =	sshrl.u32 s1, $0x2  }
0xb9: {  	s3 =	sand.u32 $0x4000, s31;
	s1 =	sadd.s32 s1, s30  }
0xba: {  	s0 =	sor.u32 s3, s0;
	s1 =	sshll.u32 s1, $0x11  }
0xbb: {  	s0 =	sor.u32 s1, s0  }
0xbc: {  	s0 =	sadd.s32 $0x8F2B, s0  }
0xbd: {  	[sflag:s0] =	ssyncadd.remote.s32 $0x1  }
0xbe: {  	_ =	sfence.sel $0xFFFF  }
0xbf: {  	[dreg:$0x0] =	wrdreg $0xFFFFFFFF;
	(pc) =	sbr.abs _section_cstart, $3  }
0xc0: {  	[dreg:$0x1] =	wrdreg $0xFFFFFFFF  }
0xc1: {  	_ =	task.clear_ibuf [dreg:s6], $0x2FFFF;
	_ =	strace $0x9FFFFFFF  }
0xc2: {  	(tm) =	ssettm $0x7FFFFFFF  }
0xc3: {  	_ =	shalt  }
tec
execute0_lowered:
.L_overlay_start_1:
0x0: {  	(tag) =	ssettag $0x1  }
0x1: {  	s6 =	rddreg [dreg:$0x0]  }
0x2: {  	s0 =	stileid.u32;
	s1 =	srdreg.scid  }
0x3: {  	s2 =	rddreg [dreg:$0x1];
	s3 =	simm.s32 $0x0;
	s17 =	simm.s32 $0x80  }
0x4: {  	s18 =	simm.s32 $0x100;
	s19 =	simm.s32 $0x1;
	s5 =	smul.u32 $0x9E0, s0  }
0x5: {  	s7 =	sand.u32 $0x1, s1;
	s1 =	rddreg [dreg:$0x2];
	s9 =	smul.u32 $0x14000, s0  }
0x6: {  	s20 =	simm.s32 $0x0;
	[smem:$0x7FF] =	sst s3;
	s11 =	smul.u32 $0x50000, s0  }
0x7: {  	s4 =	sadd.s32 $0xC6E00, s6;
	s31 =	sshll.u32 s0, $0x6;
	s8 =	smul.u32 $0x3C0000, s7  }
0x8: {  	_ =	strace $0x80000047;
	s28 =	ssub.s32 $0x2, s7;
	s13 =	smul.u32 $0x4F0, s7  }
0x9: {  	s10 =	sadd.s32 s5, s6;
	s5 =	sadd.s32 $0x13C200, s6;
	s29 =	sshrl.u32 s28, $0x1  }
0xa: {  	s30 =	sshrl.u32 s11, $0x2;
	s26 =	sadd.s32 s9, s8;
	s14 =	ssub.s32 s28, s29  }
0xb: {  	s15 =	sadd.s32 s30, s2;
	s16 =	sadd.s32 s13, s10;
	s8 =	sshrl.u32 s26, $0x3  }
0xc: {  	s10 =	smax.u32 s14, $0x1;
	s11 =	sadd.s32 $0x20C00, s16;
	s13 =	sadd.s32 $0xD000, s16  }
0xd: {  	s14 =	sadd.s32 $0x16E00, s16;
	s12 =	sadd.s32 s8, s6;
	s6 =	sor.u32 $0x1C02, s31  }
0xe: {  	s15 =	sshrl.u32 s15, $0x3;
	s7 =	sadd.s32 $0x13EA00, s12;
	s8 =	sadd.s32 $0x166A00, s12  }
0xf: {  	s9 =	sadd.s32 $0x18EA00, s12;
	s12 =	sadd.s32 $0x3200, s16;
	s16 =	simm.s32 $0x2  }
.LBB2_1:
0x10: {  	[spmem:s15], [sflag:s6] =	dma.local [hbm:s5], $0x2800  }
0x11: {  	_ =	swait.ge [sflag:s16], $0x2800  }
0x12: {  	[sflag:s16] =	ssyncset.done $0x0  }
0x13: {  	[sflag:s16] =	ssyncadd.s32 $0xFFFFD800  }
0x14: {  	s21 =	sadd.s32 $0x0, s12;
	[bflag:$0x0] =	sbarrier.arrive $0xFFFF  }
0x15: {  	[tilespmem:s3], [sflag:$0x2] =	stream.linear.gather [hbm4b:s21+s3], $0x80, $0x38;
	[tilespmem:$0x18100] =	vst v63  }
0x16: {  	_ =	swait.ge [sflag:s16], $0x80  }
0x17: {  	[sflag:s16] =	ssyncset.done $0x0  }
0x18: {  	s31 =	sadd.s32 $0x0, s11;
	[sflag:s16] =	ssyncadd.s32 $0xFFFFFF80  }
0x19: {  	[tilespmem:s17], [sflag:$0x2] =	stream.linear.gather [hbm4b:s31+s3], $0x80, $0x38;
	[tilespmem:$0x18100] =	vst v63  }
0x1a: {  	_ =	swait.ge [sflag:s16], $0x80  }
0x1b: {  	[sflag:s16] =	ssyncset.done $0x0  }
0x1c: {  	[sflag:s16] =	ssyncadd.s32 $0xFFFFFF80  }
0x1d: {  	[tilespmem:s18], [sflag:$0x1] =	stream.indirect.gather [hbm4b:s4+s17], $0x80, s3, s17, $0xb8;
	[tilespmem:$0x18100] =	vst v63  }
0x1e: {  	_ =	swait.ge [sflag:s19], $0x4000  }
0x1f: {  	[sflag:s19] =	ssyncset.done $0x0  }
0x20: {  	[sflag:s19] =	ssyncadd.s32 $0xFFFFC000  }
0x21: {  	[spmem:s2] =	stream.indirect.scatter.add.f32 [tilespmem:s18], [sflag:$0x2], $0x80, s17, s17, $0xb8;
	[tilespmem:$0x18100] =	vst v63  }
0x22: {  	_ =	swait.ge [sflag:s16], $0x4000  }
0x23: {  	s22 =	simm.s32 $0x20;
	s21 =	simm.s32 $0x10;
	[sflag:s16] =	ssyncset.done $0x0  }
.LBB2_2:
0x24: {  	s23 =	sadd.s32 s21, s12  }
0x25: {  	[sflag:s16] =	ssyncadd.s32 $0xFFFFC000;
	s24 =	smov.u32 s22;
	s25 =	sadd.s32 $0x10, s22  }
0x26: {  	[tilespmem:s3], [sflag:$0x2] =	stream.linear.gather [hbm4b:s23+s3], $0x80, $0x38;
	[tilespmem:$0x18100] =	vst v63  }
0x27: {  	p0 =	sne.s32 s22, $0x4E0;
	_ =	swait.ge [sflag:s16], $0x80  }
0x28: {  	[sflag:s16] =	ssyncset.done $0x0  }
0x29: {  	s22 =	sadd.s32 s21, s11;
	s21 =	smov.u32 s24;
	[sflag:s16] =	ssyncadd.s32 $0xFFFFFF80  }
0x2a: {  	[tilespmem:s17], [sflag:$0x2] =	stream.linear.gather [hbm4b:s22+s3], $0x80, $0x38;
	[tilespmem:$0x18100] =	vst v63  }
0x2b: {  	_ =	swait.ge [sflag:s16], $0x80  }
0x2c: {  	[sflag:s16] =	ssyncset.done $0x0  }
0x2d: {  	[sflag:s16] =	ssyncadd.s32 $0xFFFFFF80  }
0x2e: {  	[tilespmem:s18], [sflag:$0x1] =	stream.indirect.gather [hbm4b:s4+s17], $0x80, s3, s17, $0xb8;
	[tilespmem:$0x18100] =	vst v63  }
0x2f: {  	_ =	swait.ge [sflag:s19], $0x4000  }
.Ltmp0:
0x30: {  	[sflag:s19] =	ssyncset.done $0x0;
	(pc) =	sbr.rel @p0 .LBB2_2-.Ltmp0, $4  }
0x31: {  	[sflag:s19] =	ssyncadd.s32 $0xFFFFC000  }
0x32: {  	[spmem:s2] =	stream.indirect.scatter.add.f32 [tilespmem:s18], [sflag:$0x2], $0x80, s17, s17, $0xb8;
	[tilespmem:$0x18100] =	vst v63  }
0x33: {  	_ =	swait.ge [sflag:s16], $0x4000  }
0x34: {  	s22 =	smov.u32 s25;
	[sflag:s16] =	ssyncset.done $0x0  }
0x35: {  	s22 =	sadd.s32 s21, s12;
	[sflag:s16] =	ssyncadd.s32 $0xFFFFC000  }
0x36: {  	[tilespmem:s3], [sflag:$0x2] =	stream.linear.gather [hbm4b:s22+s3], $0x80, $0x38;
	[tilespmem:$0x18100] =	vst v63  }
0x37: {  	_ =	swait.ge [sflag:s16], $0x80  }
0x38: {  	[sflag:s16] =	ssyncset.done $0x0  }
0x39: {  	s29 =	sadd.s32 s21, s11;
	[sflag:s16] =	ssyncadd.s32 $0xFFFFFF80  }
0x3a: {  	[tilespmem:s17], [sflag:$0x2] =	stream.linear.gather [hbm4b:s29+s3], $0x80, $0x38;
	[tilespmem:$0x18100] =	vst v63  }
0x3b: {  	_ =	swait.ge [sflag:s16], $0x80  }
0x3c: {  	[sflag:s16] =	ssyncset.done $0x0  }
0x3d: {  	[sflag:s16] =	ssyncadd.s32 $0xFFFFFF80  }
0x3e: {  	[tilespmem:s18], [sflag:$0x1] =	stream.indirect.gather [hbm4b:s4+s17], $0x80, s3, s17, $0xb8;
	[tilespmem:$0x18100] =	vst v63  }
0x3f: {  	_ =	swait.ge [sflag:s19], $0x4000  }
0x40: {  	[sflag:s19] =	ssyncset.done $0x0  }
0x41: {  	[sflag:s19] =	ssyncadd.s32 $0xFFFFC000  }
0x42: {  	[spmem:s2] =	stream.indirect.scatter.add.f32 [tilespmem:s18], [sflag:$0x2], $0x80, s17, s17, $0xb8;
	[tilespmem:$0x18100] =	vst v63  }
0x43: {  	_ =	swait.ge [sflag:s16], $0x4000  }
0x44: {  	[sflag:s16] =	ssyncset.done $0x0  }
0x45: {  	[sflag:s16] =	ssyncadd.s32 $0xFFFFC000  }
0x46: {  	[bflag:$0x0] =	sbarrier.arrive $0xFFFF  }
0x47: {  	[hbm:s7], [sflag:s6] =	dma.local [spmem:s15], $0x2800  }
0x48: {  	_ =	swait.ge [sflag:s16], $0x2800  }
0x49: {  	[sflag:s16] =	ssyncset.done $0x0  }
0x4a: {  	[sflag:s16] =	ssyncadd.s32 $0xFFFFD800  }
0x4b: {  	[bflag:$0x0] =	sbarrier.arrive $0xFFFF  }
0x4c: {  	[spmem:s15], [sflag:s6] =	dma.local [hbm:s5], $0x2800  }
0x4d: {  	_ =	swait.ge [sflag:s16], $0x2800  }
0x4e: {  	[sflag:s16] =	ssyncset.done $0x0  }
0x4f: {  	[sflag:s16] =	ssyncadd.s32 $0xFFFFD800  }
0x50: {  	s30 =	sadd.s32 $0x0, s13;
	[bflag:$0x0] =	sbarrier.arrive $0xFFFF  }
0x51: {  	[tilespmem:s3], [sflag:$0x2] =	stream.linear.gather [hbm4b:s30+s3], $0x80, $0x38;
	[tilespmem:$0x18100] =	vst v63  }
0x52: {  	_ =	swait.ge [sflag:s16], $0x80  }
0x53: {  	[sflag:s16] =	ssyncset.done $0x0  }
0x54: {  	s31 =	sadd.s32 $0x0, s11;
	[sflag:s16] =	ssyncadd.s32 $0xFFFFFF80  }
0x55: {  	[tilespmem:s17], [sflag:$0x2] =	stream.linear.gather [hbm4b:s31+s3], $0x80, $0x38;
	[tilespmem:$0x18100] =	vst v63  }
0x56: {  	_ =	swait.ge [sflag:s16], $0x80  }
0x57: {  	[sflag:s16] =	ssyncset.done $0x0  }
0x58: {  	[sflag:s16] =	ssyncadd.s32 $0xFFFFFF80  }
0x59: {  	[tilespmem:s18], [sflag:$0x1] =	stream.indirect.gather [hbm4b:s4+s17], $0x80, s3, s17, $0xb8;
	[tilespmem:$0x18100] =	vst v63  }
0x5a: {  	_ =	swait.ge [sflag:s19], $0x4000  }
0x5b: {  	[sflag:s19] =	ssyncset.done $0x0  }
0x5c: {  	[sflag:s19] =	ssyncadd.s32 $0xFFFFC000  }
0x5d: {  	[spmem:s2] =	stream.indirect.scatter.add.f32 [tilespmem:s18], [sflag:$0x2], $0x80, s17, s17, $0xb8;
	[tilespmem:$0x18100] =	vst v63  }
0x5e: {  	_ =	swait.ge [sflag:s16], $0x4000  }
0x5f: {  	s21 =	simm.s32 $0x10;
	s22 =	simm.s32 $0x20;
	[sflag:s16] =	ssyncset.done $0x0  }
.LBB2_4:
0x60: {  	s23 =	sadd.s32 s21, s13  }
0x61: {  	[sflag:s16] =	ssyncadd.s32 $0xFFFFC000;
	s24 =	smov.u32 s22;
	s25 =	sadd.s32 $0x10, s22  }
0x62: {  	[tilespmem:s3], [sflag:$0x2] =	stream.linear.gather [hbm4b:s23+s3], $0x80, $0x38;
	[tilespmem:$0x18100] =	vst v63  }
0x63: {  	p0 =	sne.s32 s22, $0x4E0;
	_ =	swait.ge [sflag:s16], $0x80  }
0x64: {  	[sflag:s16] =	ssyncset.done $0x0  }
0x65: {  	s22 =	sadd.s32 s21, s11;
	s21 =	smov.u32 s24;
	[sflag:s16] =	ssyncadd.s32 $0xFFFFFF80  }
0x66: {  	[tilespmem:s17], [sflag:$0x2] =	stream.linear.gather [hbm4b:s22+s3], $0x80, $0x38;
	[tilespmem:$0x18100] =	vst v63  }
0x67: {  	_ =	swait.ge [sflag:s16], $0x80  }
0x68: {  	[sflag:s16] =	ssyncset.done $0x0  }
0x69: {  	[sflag:s16] =	ssyncadd.s32 $0xFFFFFF80  }
0x6a: {  	[tilespmem:s18], [sflag:$0x1] =	stream.indirect.gather [hbm4b:s4+s17], $0x80, s3, s17, $0xb8;
	[tilespmem:$0x18100] =	vst v63  }
0x6b: {  	_ =	swait.ge [sflag:s19], $0x4000  }
.Ltmp1:
0x6c: {  	[sflag:s19] =	ssyncset.done $0x0;
	(pc) =	sbr.rel @p0 .LBB2_4-.Ltmp1, $4  }
0x6d: {  	[sflag:s19] =	ssyncadd.s32 $0xFFFFC000  }
0x6e: {  	[spmem:s2] =	stream.indirect.scatter.add.f32 [tilespmem:s18], [sflag:$0x2], $0x80, s17, s17, $0xb8;
	[tilespmem:$0x18100] =	vst v63  }
0x6f: {  	_ =	swait.ge [sflag:s16], $0x4000  }
0x70: {  	s22 =	smov.u32 s25;
	[sflag:s16] =	ssyncset.done $0x0  }
0x71: {  	s22 =	sadd.s32 s21, s13;
	[sflag:s16] =	ssyncadd.s32 $0xFFFFC000  }
0x72: {  	[tilespmem:s3], [sflag:$0x2] =	stream.linear.gather [hbm4b:s22+s3], $0x80, $0x38;
	[tilespmem:$0x18100] =	vst v63  }
0x73: {  	_ =	swait.ge [sflag:s16], $0x80  }
0x74: {  	[sflag:s16] =	ssyncset.done $0x0  }
0x75: {  	s29 =	sadd.s32 s21, s11;
	[sflag:s16] =	ssyncadd.s32 $0xFFFFFF80  }
0x76: {  	[tilespmem:s17], [sflag:$0x2] =	stream.linear.gather [hbm4b:s29+s3], $0x80, $0x38;
	[tilespmem:$0x18100] =	vst v63  }
0x77: {  	_ =	swait.ge [sflag:s16], $0x80  }
0x78: {  	[sflag:s16] =	ssyncset.done $0x0  }
0x79: {  	[sflag:s16] =	ssyncadd.s32 $0xFFFFFF80  }
0x7a: {  	[tilespmem:s18], [sflag:$0x1] =	stream.indirect.gather [hbm4b:s4+s17], $0x80, s3, s17, $0xb8;
	[tilespmem:$0x18100] =	vst v63  }
0x7b: {  	_ =	swait.ge [sflag:s19], $0x4000  }
0x7c: {  	[sflag:s19] =	ssyncset.done $0x0  }
0x7d: {  	[sflag:s19] =	ssyncadd.s32 $0xFFFFC000  }
0x7e: {  	[spmem:s2] =	stream.indirect.scatter.add.f32 [tilespmem:s18], [sflag:$0x2], $0x80, s17, s17, $0xb8;
	[tilespmem:$0x18100] =	vst v63  }
0x7f: {  	_ =	swait.ge [sflag:s16], $0x4000  }
0x80: {  	[sflag:s16] =	ssyncset.done $0x0  }
0x81: {  	[sflag:s16] =	ssyncadd.s32 $0xFFFFC000  }
0x82: {  	[bflag:$0x0] =	sbarrier.arrive $0xFFFF  }
0x83: {  	[hbm:s8], [sflag:s6] =	dma.local [spmem:s15], $0x2800  }
0x84: {  	_ =	swait.ge [sflag:s16], $0x2800  }
0x85: {  	[sflag:s16] =	ssyncset.done $0x0  }
0x86: {  	[sflag:s16] =	ssyncadd.s32 $0xFFFFD800  }
0x87: {  	[bflag:$0x0] =	sbarrier.arrive $0xFFFF  }
0x88: {  	[spmem:s15], [sflag:s6] =	dma.local [hbm:s5], $0x2800  }
0x89: {  	_ =	swait.ge [sflag:s16], $0x2800  }
0x8a: {  	[sflag:s16] =	ssyncset.done $0x0  }
0x8b: {  	[sflag:s16] =	ssyncadd.s32 $0xFFFFD800  }
0x8c: {  	s30 =	sadd.s32 $0x0, s14;
	[bflag:$0x0] =	sbarrier.arrive $0xFFFF  }
0x8d: {  	[tilespmem:s3], [sflag:$0x2] =	stream.linear.gather [hbm4b:s30+s3], $0x80, $0x38;
	[tilespmem:$0x18100] =	vst v63  }
0x8e: {  	_ =	swait.ge [sflag:s16], $0x80  }
0x8f: {  	[sflag:s16] =	ssyncset.done $0x0  }
0x90: {  	s31 =	sadd.s32 $0x0, s11;
	[sflag:s16] =	ssyncadd.s32 $0xFFFFFF80  }
0x91: {  	[tilespmem:s17], [sflag:$0x2] =	stream.linear.gather [hbm4b:s31+s3], $0x80, $0x38;
	[tilespmem:$0x18100] =	vst v63  }
0x92: {  	_ =	swait.ge [sflag:s16], $0x80  }
0x93: {  	[sflag:s16] =	ssyncset.done $0x0  }
0x94: {  	[sflag:s16] =	ssyncadd.s32 $0xFFFFFF80  }
0x95: {  	[tilespmem:s18], [sflag:$0x1] =	stream.indirect.gather [hbm4b:s4+s17], $0x80, s3, s17, $0xb8;
	[tilespmem:$0x18100] =	vst v63  }
0x96: {  	_ =	swait.ge [sflag:s19], $0x4000  }
0x97: {  	[sflag:s19] =	ssyncset.done $0x0  }
0x98: {  	[sflag:s19] =	ssyncadd.s32 $0xFFFFC000  }
0x99: {  	[spmem:s2] =	stream.indirect.scatter.add.f32 [tilespmem:s18], [sflag:$0x2], $0x80, s17, s17, $0xb8;
	[tilespmem:$0x18100] =	vst v63  }
0x9a: {  	_ =	swait.ge [sflag:s16], $0x4000  }
0x9b: {  	s21 =	simm.s32 $0x10;
	s22 =	simm.s32 $0x20;
	[sflag:s16] =	ssyncset.done $0x0  }
.LBB2_6:
0x9c: {  	s23 =	sadd.s32 s21, s14  }
0x9d: {  	[sflag:s16] =	ssyncadd.s32 $0xFFFFC000;
	s24 =	smov.u32 s22;
	s25 =	sadd.s32 $0x10, s22  }
0x9e: {  	[tilespmem:s3], [sflag:$0x2] =	stream.linear.gather [hbm4b:s23+s3], $0x80, $0x38;
	[tilespmem:$0x18100] =	vst v63  }
0x9f: {  	p0 =	sne.s32 s22, $0x4E0;
	_ =	swait.ge [sflag:s16], $0x80  }
0xa0: {  	[sflag:s16] =	ssyncset.done $0x0  }
0xa1: {  	s22 =	sadd.s32 s21, s11;
	s21 =	smov.u32 s24;
	[sflag:s16] =	ssyncadd.s32 $0xFFFFFF80  }
0xa2: {  	[tilespmem:s17], [sflag:$0x2] =	stream.linear.gather [hbm4b:s22+s3], $0x80, $0x38;
	[tilespmem:$0x18100] =	vst v63  }
0xa3: {  	_ =	swait.ge [sflag:s16], $0x80  }
0xa4: {  	[sflag:s16] =	ssyncset.done $0x0  }
0xa5: {  	[sflag:s16] =	ssyncadd.s32 $0xFFFFFF80  }
0xa6: {  	[tilespmem:s18], [sflag:$0x1] =	stream.indirect.gather [hbm4b:s4+s17], $0x80, s3, s17, $0xb8;
	[tilespmem:$0x18100] =	vst v63  }
0xa7: {  	_ =	swait.ge [sflag:s19], $0x4000  }
.Ltmp2:
0xa8: {  	[sflag:s19] =	ssyncset.done $0x0;
	(pc) =	sbr.rel @p0 .LBB2_6-.Ltmp2, $4  }
0xa9: {  	[sflag:s19] =	ssyncadd.s32 $0xFFFFC000  }
0xaa: {  	[spmem:s2] =	stream.indirect.scatter.add.f32 [tilespmem:s18], [sflag:$0x2], $0x80, s17, s17, $0xb8;
	[tilespmem:$0x18100] =	vst v63  }
0xab: {  	_ =	swait.ge [sflag:s16], $0x4000  }
0xac: {  	s22 =	smov.u32 s25;
	[sflag:s16] =	ssyncset.done $0x0  }
0xad: {  	s22 =	sadd.s32 s21, s14;
	[sflag:s16] =	ssyncadd.s32 $0xFFFFC000  }
0xae: {  	[tilespmem:s3], [sflag:$0x2] =	stream.linear.gather [hbm4b:s22+s3], $0x80, $0x38;
	[tilespmem:$0x18100] =	vst v63  }
0xaf: {  	_ =	swait.ge [sflag:s16], $0x80  }
0xb0: {  	[sflag:s16] =	ssyncset.done $0x0  }
0xb1: {  	s31 =	sadd.s32 s21, s11;
	[sflag:s16] =	ssyncadd.s32 $0xFFFFFF80  }
0xb2: {  	[tilespmem:s17], [sflag:$0x2] =	stream.linear.gather [hbm4b:s31+s3], $0x80, $0x38;
	[tilespmem:$0x18100] =	vst v63  }
0xb3: {  	_ =	swait.ge [sflag:s16], $0x80  }
0xb4: {  	[sflag:s16] =	ssyncset.done $0x0  }
0xb5: {  	[sflag:s16] =	ssyncadd.s32 $0xFFFFFF80  }
0xb6: {  	[tilespmem:s18], [sflag:$0x1] =	stream.indirect.gather [hbm4b:s4+s17], $0x80, s3, s17, $0xb8;
	[tilespmem:$0x18100] =	vst v63  }
0xb7: {  	_ =	swait.ge [sflag:s19], $0x4000  }
0xb8: {  	[sflag:s19] =	ssyncset.done $0x0  }
0xb9: {  	[sflag:s19] =	ssyncadd.s32 $0xFFFFC000  }
0xba: {  	[spmem:s2] =	stream.indirect.scatter.add.f32 [tilespmem:s18], [sflag:$0x2], $0x80, s17, s17, $0xb8;
	[tilespmem:$0x18100] =	vst v63  }
0xbb: {  	_ =	swait.ge [sflag:s16], $0x4000  }
0xbc: {  	[sflag:s16] =	ssyncset.done $0x0  }
0xbd: {  	s20 =	sadd.s32 $0x1, s20;
	[sflag:s16] =	ssyncadd.s32 $0xFFFFC000  }
0xbe: {  	p0 =	sne.s32 s20, s10;
	[bflag:$0x0] =	sbarrier.arrive $0xFFFF  }
0xbf: {  	[hbm:s9], [sflag:s6] =	dma.local [spmem:s15], $0x2800  }
.Ltmp3:
0xc0: {  	_ =	swait.ge [sflag:s16], $0x2800;
	(pc) =	sbr.rel @p0 .LBB2_1-.Ltmp3, $3  }
0xc1: {  	[sflag:s16] =	ssyncset.done $0x0  }
0xc2: {  	[sflag:s16] =	ssyncadd.s32 $0xFFFFD800  }
0xc3: {  	[bflag:$0x0] =	sbarrier.arrive $0xFFFF;
	_ =	sdelay $0x1  }
0xc4: {  	_ =	sfence.sel $0x180000  }
0xc5: {  	[bflag:$0x0] =	sbarrier.arrive $0xFFFF  }
0xc6: {  	p0 =	sne.s32 s0, $0x0;
	_ =	strace $0x90000047  }
0xc7: {  	s0 =	sadd.s32 @!p0 $0x100000, s1;
	[bflag:$0x2] =	sbarrier.arrive $0xFFFF  }
0xc8: {  	[sflag:s0] =	ssyncadd.tile.s32 @!p0 $0x1;
	_ =	shalt  }
.Lfunc_end2:
_tile_overlayer_lowered:
.L_overlay_start_2:
0xc9: {  	(tag) =	ssettag $0x2  }
0xca: {  	s0 =	rddreg [dreg:$0x0];
	s2 =	stileid.u32  }
0xcb: {  	s1 =	rddreg [dreg:$0x1];
	p0 =	sne.s32 s2, $0x0  }
0xcc: {  	s3 =	rddreg [dreg:$0x2];
	[bflag:$0x3] =	sbarrier.arrive $0xFFFF;
	s2 =	simm.s32 @!p0 $0x1C02  }
0xcd: {  	[timem:s3], [sflag:s2] =	dma.local @!p0 [hbm:s0], s1  }
0xce: {  	s0 =	simm.s32 @!p0 $0x2  }
0xcf: {  	_ =	swait.ge @!p0 [sflag:s0], s1  }
0xd0: {  	s1 =	ssub.s32 @!p0 $0x0, s1;
	[sflag:s0] =	ssyncset.done @!p0 $0x0  }
0xd1: {  	[sflag:s0] =	ssyncadd.s32 @!p0 s1  }
0xd2: {  	[bflag:$0x3] =	sbarrier.arrive $0xFFFF  }
0xd3: {  	_ =	shalt  }

</sc_bundles>
